<compile_context>
chip_gen: v7x
topology: tpu7x:2x2x1
jax: 0.10.2.dev20260603
libtpu: 0.0.44.dev20260713+nightly
codegen_flags: <defaults>
</compile_context>

<pallas_src>
import functools

import jax
import jax.numpy as jnp
from jax import lax
from jax.experimental import pallas as pl
from jax.experimental.pallas import tpu as pltpu
from jax.experimental.pallas import tpu_sc as plsc

NUM_NODES = 10000
NUM_EDGES = 320000
NC = 2
NS = 16
CH = 128
NCHUNK = 2560
EPAD = NCHUNK * CH
RP = 10240
RPT = RP // NS
HW = 64


def _zero_fill(ref, width):
    zv = jnp.zeros((16,), jnp.float32)

    def row(j, carry):
        for k in range(width // 16):
            ref[j, pl.ds(k * 16, 16)] = zv
        return carry

    lax.fori_loop(0, CH, row, 0)


_CPW_A = NCHUNK // NS

_mesh = plsc.VectorSubcoreMesh(core_axis_name="c", subcore_axis_name="s")


@functools.partial(
    pl.kernel,
    out_type=(
        jax.ShapeDtypeStruct((NC, RP, HW), jnp.float32),
        jax.ShapeDtypeStruct((NC, RP, 16), jnp.float32),
    ),
    mesh=_mesh,
    compiler_params=pltpu.CompilerParams(use_tc_tiling_on_sc=False),
    scratch_types=[
        pltpu.VMEM((_CPW_A, CH), jnp.int32),
        pltpu.VMEM((_CPW_A, CH), jnp.int32),
        pltpu.VMEM((CH, HW), jnp.float32),
        pltpu.VMEM((CH, HW), jnp.float32),
        pltpu.VMEM((CH, 16), jnp.float32),
        pltpu.VMEM((CH, 16), jnp.float32),
        pltpu.VMEM_SHARED((RP, HW), jnp.float32),
        pltpu.VMEM_SHARED((RP, 16), jnp.float32),
        pltpu.SemaphoreType.DMA,
    ],
)
def _sc_agg_l0(xcat_hbm, srcp2_hbm, dstp_hbm, out_hbm, deg_hbm,
               srcv, dstv, buf, zbuf, ones16, z16, acc, dacc, sem):
    c = lax.axis_index("c")
    s = lax.axis_index("s")

    _zero_fill(zbuf, HW)
    _zero_fill(z16, 16)
    ov = jnp.ones((16,), jnp.float32)

    def onesrow(j, carry):
        ones16[j, pl.ds(0, 16)] = ov
        return carry

    lax.fori_loop(0, CH, onesrow, 0)

    def zslab(k, carry):
        r = s * RPT + k * CH
        pltpu.sync_copy(zbuf, acc.at[pl.ds(r, CH)])
        pltpu.sync_copy(z16, dacc.at[pl.ds(r, CH)])
        return carry

    lax.fori_loop(0, RPT // CH, zslab, 0)
    plsc.subcore_barrier()

    base = s * _CPW_A
    pltpu.sync_copy(srcp2_hbm.at[c, pl.ds(base, _CPW_A)], srcv)
    pltpu.sync_copy(dstp_hbm.at[pl.ds(base, _CPW_A)], dstv)

    def chunk(j, carry):
        pltpu.async_copy(xcat_hbm.at[srcv.at[j]], buf, sem).wait()
        pltpu.sync_copy(buf, acc.at[dstv.at[j]], add=True)
        pltpu.sync_copy(ones16, dacc.at[dstv.at[j]], add=True)
        return carry

    lax.fori_loop(0, _CPW_A, chunk, 0)
    plsc.subcore_barrier()

    def oslab(k, carry):
        r = s * RPT + k * CH
        pltpu.sync_copy(acc.at[pl.ds(r, CH)], out_hbm.at[c, pl.ds(r, CH)])
        pltpu.sync_copy(dacc.at[pl.ds(r, CH)], deg_hbm.at[c, pl.ds(r, CH)])
        return carry

    lax.fori_loop(0, RPT // CH, oslab, 0)


_CPW_B = NCHUNK // (NC * NS)


@functools.partial(
    pl.kernel,
    out_type=jax.ShapeDtypeStruct((NC, RP, HW), jnp.float32),
    mesh=_mesh,
    compiler_params=pltpu.CompilerParams(use_tc_tiling_on_sc=False),
    scratch_types=[
        pltpu.VMEM((_CPW_B, CH), jnp.int32),
        pltpu.VMEM((_CPW_B, CH), jnp.int32),
        pltpu.VMEM((CH, HW), jnp.float32),
        pltpu.VMEM((CH, HW), jnp.float32),
        pltpu.VMEM_SHARED((RP, HW), jnp.float32),
        pltpu.SemaphoreType.DMA,
    ],
)
def _sc_agg_l1(z_hbm, srcp_hbm, dstp_hbm, out_hbm,
               srcv, dstv, buf, zbuf, acc, sem):
    c = lax.axis_index("c")
    s = lax.axis_index("s")
    wid = c * NS + s

    _zero_fill(zbuf, HW)

    def zslab(k, carry):
        r = s * RPT + k * CH
        pltpu.sync_copy(zbuf, acc.at[pl.ds(r, CH)])
        return carry

    lax.fori_loop(0, RPT // CH, zslab, 0)
    plsc.subcore_barrier()

    base = wid * _CPW_B
    pltpu.sync_copy(srcp_hbm.at[pl.ds(base, _CPW_B)], srcv)
    pltpu.sync_copy(dstp_hbm.at[pl.ds(base, _CPW_B)], dstv)

    def chunk(j, carry):
        pltpu.async_copy(z_hbm.at[srcv.at[j]], buf, sem).wait()
        pltpu.sync_copy(buf, acc.at[dstv.at[j]], add=True)
        return carry

    lax.fori_loop(0, _CPW_B, chunk, 0)
    plsc.subcore_barrier()

    def oslab(k, carry):
        r = s * RPT + k * CH
        pltpu.sync_copy(acc.at[pl.ds(r, CH)], out_hbm.at[c, pl.ds(r, CH)])
        return carry

    lax.fori_loop(0, RPT // CH, oslab, 0)


RB = 1000


def _tc1_body(x_ref, aggp_ref, degp_ref, ws0_ref, wn0_ref, b0_ref,
              ws1_ref, wn1_ref, b1_ref, z_ref, s_ref):
    agg = jnp.concatenate([aggp_ref[0], aggp_ref[1]], axis=-1)
    deg = degp_ref[0, :, 0:1]
    hn = agg / jnp.maximum(deg, 1.0)
    h1 = (jnp.dot(x_ref[...], ws0_ref[...], preferred_element_type=jnp.float32)
          + jnp.dot(hn, wn0_ref[...], preferred_element_type=jnp.float32)
          + b0_ref[...])
    h1 = jnp.maximum(h1, 0.0)
    z_ref[...] = jnp.dot(h1, wn1_ref[...], preferred_element_type=jnp.float32)
    s_ref[...] = (jnp.dot(h1, ws1_ref[...], preferred_element_type=jnp.float32)
                  + b1_ref[...])


def _tc2_body(s_ref, aggp_ref, degp_ref, out_ref):
    agg = aggp_ref[0] + aggp_ref[1]
    deg = degp_ref[0, :, 0:1]
    out_ref[...] = s_ref[...] + agg / jnp.maximum(deg, 1.0)


def kernel(x, edge_index, W_self0, W_neigh0, b0, W_self1, W_neigh1, b1):
    d_in = x.shape[1]
    d_hid = W_self0.shape[1]
    n_cls = W_self1.shape[1]

    src = edge_index[0]
    dst = edge_index[1]
    pad = EPAD - NUM_EDGES
    srcp = jnp.concatenate([src, jnp.zeros((pad,), jnp.int32)]).reshape(
        NCHUNK, CH)
    dstp = jnp.concatenate([dst, jnp.full((pad,), NUM_NODES, jnp.int32)]
                           ).reshape(NCHUNK, CH)
    srcp2 = jnp.stack([srcp, srcp + NUM_NODES])
    xcat = jnp.concatenate([x[:, :HW], x[:, HW:]], axis=0)

    agg0p, degp = _sc_agg_l0(xcat, srcp2, dstp)

    grid = (NUM_NODES // RB,)
    z, sflat = pl.pallas_call(
        _tc1_body,
        grid=grid,
        in_specs=[
            pl.BlockSpec((RB, d_in), lambda i: (i, 0)),
            pl.BlockSpec((NC, RB, HW), lambda i: (0, i, 0)),
            pl.BlockSpec((NC, RB, 16), lambda i: (0, i, 0)),
            pl.BlockSpec((d_in, d_hid), lambda i: (0, 0)),
            pl.BlockSpec((d_in, d_hid), lambda i: (0, 0)),
            pl.BlockSpec((1, d_hid), lambda i: (0, 0)),
            pl.BlockSpec((d_hid, n_cls), lambda i: (0, 0)),
            pl.BlockSpec((d_hid, n_cls), lambda i: (0, 0)),
            pl.BlockSpec((1, n_cls), lambda i: (0, 0)),
        ],
        out_specs=[
            pl.BlockSpec((RB, n_cls), lambda i: (i, 0)),
            pl.BlockSpec((RB, n_cls), lambda i: (i, 0)),
        ],
        out_shape=[
            jax.ShapeDtypeStruct((NUM_NODES, n_cls), jnp.float32),
            jax.ShapeDtypeStruct((NUM_NODES, n_cls), jnp.float32),
        ],
    )(x, agg0p, degp, W_self0, W_neigh0, b0[None, :], W_self1, W_neigh1,
      b1[None, :])

    agg1p = _sc_agg_l1(z, srcp, dstp)

    out = pl.pallas_call(
        _tc2_body,
        grid=grid,
        in_specs=[
            pl.BlockSpec((RB, n_cls), lambda i: (i, 0)),
            pl.BlockSpec((NC, RB, n_cls), lambda i: (0, i, 0)),
            pl.BlockSpec((NC, RB, 16), lambda i: (0, i, 0)),
        ],
        out_specs=pl.BlockSpec((RB, n_cls), lambda i: (i, 0)),
        out_shape=jax.ShapeDtypeStruct((NUM_NODES, n_cls), jnp.float32),
    )(sflat, agg1p, degp)

    return out

# --- scband reference (transcript-rebuilt; emitter-appended) ---
"""Pipeline reference for scband-sage-39659728011881 (READ-ONLY COPY).

The authoritative reference and input builder live on the scoring server;
editing this copy changes nothing except your own understanding.
"""

import jax, jax.numpy as jnp
import numpy as np

N = 10000
E = 320000
D_IN = 128
D_HID = 256
N_CLASSES = 64


def setup_inputs(seed: int = 0) -> dict:
    key = jax.random.key(seed)
    ks = jax.random.split(key, 9)
    x = jax.random.normal(ks[0], (N, D_IN), dtype=jnp.float32)
    edge_index = jax.random.randint(ks[1], (2, E), 0, N, dtype=jnp.int32)
    # SAGEConv layer 0: in_feats=128 -> n_hidden=256 ('mean' aggregator: fc_self + fc_neigh)
    W_self0 = jax.random.normal(ks[2], (D_IN, D_HID), dtype=jnp.float32) * 0.05
    W_neigh0 = jax.random.normal(ks[3], (D_IN, D_HID), dtype=jnp.float32) * 0.05
    b0 = jnp.zeros((D_HID,), dtype=jnp.float32)
    # SAGEConv layer 1: n_hidden=256 -> n_classes=64
    W_self1 = jax.random.normal(ks[4], (D_HID, N_CLASSES), dtype=jnp.float32) * 0.05
    W_neigh1 = jax.random.normal(ks[5], (D_HID, N_CLASSES), dtype=jnp.float32) * 0.05
    b1 = jnp.zeros((N_CLASSES,), dtype=jnp.float32)
    return {
        "x": x,
        "edge_index": edge_index,
        "W_self0": W_self0,
        "W_neigh0": W_neigh0,
        "b0": b0,
        "W_self1": W_self1,
        "W_neigh1": W_neigh1,
        "b1": b1,
    }


def reference(x, edge_index, W_self0, W_neigh0, b0, W_self1, W_neigh1, b1):
    # 2-layer GraphSAGE with 'mean' aggregator, eval mode (dropout = identity).
    # Each layer: h_out = h_dst @ W_self + mean_{src in N(dst)}(h_src) @ W_neigh + b
    src = edge_index[0]
    dst = edge_index[1]

    def sage_layer(h, Ws, Wn, b):
        msg = jnp.take(h, src, axis=0)                      # gather source feats [E, d]
        agg = jax.ops.segment_sum(msg, dst, num_segments=N)  # scatter-add to dst [N, d]
        deg = jax.ops.segment_sum(jnp.ones((E, 1), jnp.float32), dst, num_segments=N)
        h_neigh = agg / jnp.maximum(deg, 1.0)                # mean aggregation
        return h @ Ws + h_neigh @ Wn + b

    h = sage_layer(x, W_self0, W_neigh0, b0)
    h = jax.nn.relu(h)  # activation on all but last layer; dropout skipped (eval)
    h = sage_layer(h, W_self1, W_neigh1, b1)
    return h

if __name__ == "__main__":
    import jax
    _d = setup_inputs()
    print(jax.jit(kernel)(*tuple(_d.values())))

</pallas_src>

<mosaic_0001>
#map = affine_map<(d0, d1) -> (0, 0)>
#map1 = affine_map<(d0, d1) -> (0, 0, 0)>
module attributes {stable_mosaic.version = 14 : i64} {
  func.func @_sc_agg_l1(%arg0: i32, %arg1: i32, %arg2: memref<10000x64xf32, #tpu.memory_space<hbm>>, %arg3: memref<2560x128xi32, #tpu.memory_space<hbm>>, %arg4: memref<2560x128xi32, #tpu.memory_space<hbm>>, %arg5: memref<2x10240x64xf32, #tpu.memory_space<hbm>>, %arg6: memref<80x128xi32, #tpu.memory_space<vmem>>, %arg7: memref<80x128xi32, #tpu.memory_space<vmem>>, %arg8: memref<128x64xf32, #tpu.memory_space<vmem>>, %arg9: memref<128x64xf32, #tpu.memory_space<vmem>>, %arg10: memref<10240x64xf32, #tpu.memory_space<vmem_shared>>, %arg11: memref<!tpu.dma_semaphore, #tpu.memory_space<semaphore_mem>>) attributes {dimension_semantics = [#tpu.dimension_semantics<core_parallel>, #tpu.dimension_semantics<subcore_parallel>], iteration_bounds = array<i64: 2, 16>, scalar_prefetch = 0 : i64, scratch_operands = 6 : i64, tpu.core_type = #tpu.core_type<sc_vector_subcore>, window_params = [{transform_indices = #map}, {transform_indices = #map}, {transform_indices = #map}, {transform_indices = #map1}]} {
    %mul3A = arith.constant 16 : i32
    %mul3A_0 = arith.muli %arg0, %mul3A : i32
    %add3A = arith.addi %mul3A_0, %arg1 : i32
    %broadcast_in_dim3A = arith.constant 0.000000e+00 : f32
    %broadcast_in_dim3A_1 = vector.broadcast %broadcast_in_dim3A : f32 to vector<16xf32>
    %scan3A = arith.constant 0 : i32
    %scan3A_2 = arith.constant 0 : i32
    %scan3A_3 = arith.constant 128 : i32
    %scan3A_4 = arith.addi %scan3A_2, %scan3A_3 : i32
    %scan3A_5 = arith.constant 1 : i32
    scf.for %scan3A_28 = %scan3A_2 to %scan3A_4 step %scan3A_5  : i32 {
      %swap3A = arith.index_cast %scan3A_28 : i32 to index
      %swap3A_29 = arith.constant 0 : index
      %swap3A_30 = tpu.vector_load %arg9[%swap3A, %swap3A_29] {strides = array<i32>} : memref<128x64xf32, #tpu.memory_space<vmem>>, vector<1x16xf32>,
      %swap3A_31 = vector.shape_cast %swap3A_30 : vector<1x16xf32> to vector<16xf32>
      %swap3A_32 = vector.shape_cast %broadcast_in_dim3A_1 : vector<16xf32> to vector<1x16xf32>
      tpu.vector_store %arg9[%swap3A, %swap3A_29], %swap3A_32 {strides = array<i32>} : memref<128x64xf32, #tpu.memory_space<vmem>>, vector<1x16xf32>,
      %swap3A_33 = arith.index_cast %scan3A_28 : i32 to index
      %swap3A_34 = arith.constant 16 : index
      %swap3A_35 = tpu.vector_load %arg9[%swap3A_33, %swap3A_34] {strides = array<i32>} : memref<128x64xf32, #tpu.memory_space<vmem>>, vector<1x16xf32>,
      %swap3A_36 = vector.shape_cast %swap3A_35 : vector<1x16xf32> to vector<16xf32>
      %swap3A_37 = vector.shape_cast %broadcast_in_dim3A_1 : vector<16xf32> to vector<1x16xf32>
      tpu.vector_store %arg9[%swap3A_33, %swap3A_34], %swap3A_37 {strides = array<i32>} : memref<128x64xf32, #tpu.memory_space<vmem>>, vector<1x16xf32>,
      %swap3A_38 = arith.index_cast %scan3A_28 : i32 to index
      %swap3A_39 = arith.constant 32 : index
      %swap3A_40 = tpu.vector_load %arg9[%swap3A_38, %swap3A_39] {strides = array<i32>} : memref<128x64xf32, #tpu.memory_space<vmem>>, vector<1x16xf32>,
      %swap3A_41 = vector.shape_cast %swap3A_40 : vector<1x16xf32> to vector<16xf32>
      %swap3A_42 = vector.shape_cast %broadcast_in_dim3A_1 : vector<16xf32> to vector<1x16xf32>
      tpu.vector_store %arg9[%swap3A_38, %swap3A_39], %swap3A_42 {strides = array<i32>} : memref<128x64xf32, #tpu.memory_space<vmem>>, vector<1x16xf32>,
      %swap3A_43 = arith.index_cast %scan3A_28 : i32 to index
      %swap3A_44 = arith.constant 48 : index
      %swap3A_45 = tpu.vector_load %arg9[%swap3A_43, %swap3A_44] {strides = array<i32>} : memref<128x64xf32, #tpu.memory_space<vmem>>, vector<1x16xf32>,
      %swap3A_46 = vector.shape_cast %swap3A_45 : vector<1x16xf32> to vector<16xf32>
      %swap3A_47 = vector.shape_cast %broadcast_in_dim3A_1 : vector<16xf32> to vector<1x16xf32>
      tpu.vector_store %arg9[%swap3A_43, %swap3A_44], %swap3A_47 {strides = array<i32>} : memref<128x64xf32, #tpu.memory_space<vmem>>, vector<1x16xf32>,
    }
    %scan3A_6 = arith.constant 128 : i32
    %scan3A_7 = arith.constant 0 : i32
    %scan3A_8 = arith.constant 0 : i32
    %scan3A_9 = arith.constant 5 : i32
    %scan3A_10 = arith.addi %scan3A_8, %scan3A_9 : i32
    %scan3A_11 = arith.constant 1 : i32
    scf.for %scan3A_28 = %scan3A_8 to %scan3A_10 step %scan3A_11  : i32 {
      %mul3A_29 = arith.constant 640 : i32
      %mul3A_30 = arith.muli %arg1, %mul3A_29 : i32
      %mul3A_31 = arith.constant 128 : i32
      %mul3A_32 = arith.muli %scan3A_28, %mul3A_31 : i32
      %add3A_33 = arith.addi %mul3A_30, %mul3A_32 : i32
      "tpu.region"() ({
        %run_scoped3A = tpu.sem_alloc : memref<!tpu.dma_semaphore, #tpu.memory_space<semaphore_mem>>
        %dma_start3A = arith.constant 0 : i32
        %dma_start3A_34 = tpu.memref_slice %arg10[%add3A_33, %dma_start3A] : memref<10240x64xf32, #tpu.memory_space<vmem_shared>> -> memref<128x64xf32, #tpu.memory_space<vmem_shared>>
        %dma_start3A_35 = arith.constant 0 : i32
        %dma_start3A_36 = tpu.memref_slice %arg10[%add3A_33, %dma_start3A_35] : memref<10240x64xf32, #tpu.memory_space<vmem_shared>> -> memref<128x64xf32, #tpu.memory_space<vmem_shared>>
        tpu.enqueue_dma source(%arg9 : memref<128x64xf32, #tpu.memory_space<vmem>>) target(%dma_start3A_36 : memref<128x64xf32, #tpu.memory_space<vmem_shared>>) target_semaphore(%run_scoped3A : memref<!tpu.dma_semaphore, #tpu.memory_space<semaphore_mem>>)
        %dma_wait3A = arith.constant 0 : i32
        %dma_wait3A_37 = tpu.memref_slice %arg10[%add3A_33, %dma_wait3A] : memref<10240x64xf32, #tpu.memory_space<vmem_shared>> -> memref<128x64xf32, #tpu.memory_space<vmem_shared>>
        %dma_wait3A_38 = arith.constant 0 : i32
        %dma_wait3A_39 = tpu.memref_slice %arg10[%add3A_33, %dma_wait3A_38] : memref<10240x64xf32, #tpu.memory_space<vmem_shared>> -> memref<128x64xf32, #tpu.memory_space<vmem_shared>>
        tpu.wait_dma2 semaphore(%run_scoped3A : memref<!tpu.dma_semaphore, #tpu.memory_space<semaphore_mem>>) src(%arg9 : memref<128x64xf32, #tpu.memory_space<vmem>>) dst(%dma_wait3A_39 : memref<128x64xf32, #tpu.memory_space<vmem_shared>>)
        tpu.yield
      }) : () -> ()
    }
    %scan3A_12 = arith.constant 5 : i32
    %barrier3A = arith.constant 0 : index
    tpu.barrier barrier_id(%barrier3A)
    %mul3A_13 = arith.constant 80 : i32
    %mul3A_14 = arith.muli %add3A, %mul3A_13 : i32
    "tpu.region"() ({
      %run_scoped3A = tpu.sem_alloc : memref<!tpu.dma_semaphore, #tpu.memory_space<semaphore_mem>>
      %dma_start3A = arith.constant 0 : i32
      %dma_start3A_28 = tpu.memref_slice %arg3[%mul3A_14, %dma_start3A] : memref<2560x128xi32, #tpu.memory_space<hbm>> -> memref<80x128xi32, #tpu.memory_space<hbm>>
      %dma_start3A_29 = arith.constant 0 : i32
      %dma_start3A_30 = tpu.memref_slice %arg3[%mul3A_14, %dma_start3A_29] : memref<2560x128xi32, #tpu.memory_space<hbm>> -> memref<80x128xi32, #tpu.memory_space<hbm>>
      tpu.enqueue_dma source(%dma_start3A_30 : memref<80x128xi32, #tpu.memory_space<hbm>>) target(%arg6 : memref<80x128xi32, #tpu.memory_space<vmem>>) target_semaphore(%run_scoped3A : memref<!tpu.dma_semaphore, #tpu.memory_space<semaphore_mem>>)
      %dma_wait3A = arith.constant 0 : i32
      %dma_wait3A_31 = tpu.memref_slice %arg3[%mul3A_14, %dma_wait3A] : memref<2560x128xi32, #tpu.memory_space<hbm>> -> memref<80x128xi32, #tpu.memory_space<hbm>>
      %dma_wait3A_32 = arith.constant 0 : i32
      %dma_wait3A_33 = tpu.memref_slice %arg3[%mul3A_14, %dma_wait3A_32] : memref<2560x128xi32, #tpu.memory_space<hbm>> -> memref<80x128xi32, #tpu.memory_space<hbm>>
      tpu.wait_dma2 semaphore(%run_scoped3A : memref<!tpu.dma_semaphore, #tpu.memory_space<semaphore_mem>>) src(%dma_wait3A_33 : memref<80x128xi32, #tpu.memory_space<hbm>>) dst(%arg6 : memref<80x128xi32, #tpu.memory_space<vmem>>)
      tpu.yield
    }) : () -> ()
    "tpu.region"() ({
      %run_scoped3A = tpu.sem_alloc : memref<!tpu.dma_semaphore, #tpu.memory_space<semaphore_mem>>
      %dma_start3A = arith.constant 0 : i32
      %dma_start3A_28 = tpu.memref_slice %arg4[%mul3A_14, %dma_start3A] : memref<2560x128xi32, #tpu.memory_space<hbm>> -> memref<80x128xi32, #tpu.memory_space<hbm>>
      %dma_start3A_29 = arith.constant 0 : i32
      %dma_start3A_30 = tpu.memref_slice %arg4[%mul3A_14, %dma_start3A_29] : memref<2560x128xi32, #tpu.memory_space<hbm>> -> memref<80x128xi32, #tpu.memory_space<hbm>>
      tpu.enqueue_dma source(%dma_start3A_30 : memref<80x128xi32, #tpu.memory_space<hbm>>) target(%arg7 : memref<80x128xi32, #tpu.memory_space<vmem>>) target_semaphore(%run_scoped3A : memref<!tpu.dma_semaphore, #tpu.memory_space<semaphore_mem>>)
      %dma_wait3A = arith.constant 0 : i32
      %dma_wait3A_31 = tpu.memref_slice %arg4[%mul3A_14, %dma_wait3A] : memref<2560x128xi32, #tpu.memory_space<hbm>> -> memref<80x128xi32, #tpu.memory_space<hbm>>
      %dma_wait3A_32 = arith.constant 0 : i32
      %dma_wait3A_33 = tpu.memref_slice %arg4[%mul3A_14, %dma_wait3A_32] : memref<2560x128xi32, #tpu.memory_space<hbm>> -> memref<80x128xi32, #tpu.memory_space<hbm>>
      tpu.wait_dma2 semaphore(%run_scoped3A : memref<!tpu.dma_semaphore, #tpu.memory_space<semaphore_mem>>) src(%dma_wait3A_33 : memref<80x128xi32, #tpu.memory_space<hbm>>) dst(%arg7 : memref<80x128xi32, #tpu.memory_space<vmem>>)
      tpu.yield
    }) : () -> ()
    %scan3A_15 = arith.constant 0 : i32
    %scan3A_16 = arith.constant 0 : i32
    %scan3A_17 = arith.constant 80 : i32
    %scan3A_18 = arith.addi %scan3A_16, %scan3A_17 : i32
    %scan3A_19 = arith.constant 1 : i32
    scf.for %scan3A_28 = %scan3A_16 to %scan3A_18 step %scan3A_19  : i32 {
      %dma_start3A = arith.constant 0 : i32
      %dma_start3A_29 = tpu.memref_slice %arg6[%scan3A_28, %dma_start3A] : memref<80x128xi32, #tpu.memory_space<vmem>> -> memref<1x128xi32, #tpu.memory_space<vmem>>
      %dma_start3A_30 = tpu.memref_squeeze %dma_start3A_29 : memref<1x128xi32, #tpu.memory_space<vmem>> -> memref<128xi32, #tpu.memory_space<vmem>>
      %dma_start3A_31 = arith.constant 0 : i32
      %dma_start3A_32 = arith.constant 0 : i32
      %dma_start3A_33 = tpu.memref_slice %arg2[%dma_start3A_31, %dma_start3A_32] : memref<10000x64xf32, #tpu.memory_space<hbm>> -> memref<10000x64xf32, #tpu.memory_space<hbm>>
      tpu.enqueue_indirect_dma source(%dma_start3A_33 : memref<10000x64xf32, #tpu.memory_space<hbm>>) target(%arg8 : memref<128x64xf32, #tpu.memory_space<vmem>>) offsets(%dma_start3A_30 : memref<128xi32, #tpu.memory_space<vmem>>) semaphore(%arg11 : memref<!tpu.dma_semaphore, #tpu.memory_space<semaphore_mem>>)
      %dma_wait3A = arith.constant 0 : i32
      %dma_wait3A_34 = tpu.memref_slice %arg6[%scan3A_28, %dma_wait3A] : memref<80x128xi32, #tpu.memory_space<vmem>> -> memref<1x128xi32, #tpu.memory_space<vmem>>
      %dma_wait3A_35 = tpu.memref_squeeze %dma_wait3A_34 : memref<1x128xi32, #tpu.memory_space<vmem>> -> memref<128xi32, #tpu.memory_space<vmem>>
      %dma_wait3A_36 = arith.constant 0 : i32
      %dma_wait3A_37 = arith.constant 0 : i32
      %dma_wait3A_38 = tpu.memref_slice %arg2[%dma_wait3A_36, %dma_wait3A_37] : memref<10000x64xf32, #tpu.memory_space<hbm>> -> memref<10000x64xf32, #tpu.memory_space<hbm>>
      tpu.wait_indirect_dma semaphore(%arg11 : memref<!tpu.dma_semaphore, #tpu.memory_space<semaphore_mem>>) src(%dma_wait3A_38 : memref<10000x64xf32, #tpu.memory_space<hbm>>) dst(%arg8 : memref<128x64xf32, #tpu.memory_space<vmem>>)
      "tpu.region"() ({
        %run_scoped3A = tpu.sem_alloc : memref<!tpu.dma_semaphore, #tpu.memory_space<semaphore_mem>>
        %dma_start3A_39 = arith.constant 0 : i32
        %dma_start3A_40 = tpu.memref_slice %arg7[%scan3A_28, %dma_start3A_39] : memref<80x128xi32, #tpu.memory_space<vmem>> -> memref<1x128xi32, #tpu.memory_space<vmem>>
        %dma_start3A_41 = tpu.memref_squeeze %dma_start3A_40 : memref<1x128xi32, #tpu.memory_space<vmem>> -> memref<128xi32, #tpu.memory_space<vmem>>
        %dma_start3A_42 = arith.constant 0 : i32
        %dma_start3A_43 = arith.constant 0 : i32
        %dma_start3A_44 = tpu.memref_slice %arg10[%dma_start3A_42, %dma_start3A_43] : memref<10240x64xf32, #tpu.memory_space<vmem_shared>> -> memref<10240x64xf32, #tpu.memory_space<vmem_shared>>
        tpu.enqueue_indirect_dma source(%arg8 : memref<128x64xf32, #tpu.memory_space<vmem>>) target(%dma_start3A_44 : memref<10240x64xf32, #tpu.memory_space<vmem_shared>>) offsets(%dma_start3A_41 : memref<128xi32, #tpu.memory_space<vmem>>) semaphore(%run_scoped3A : memref<!tpu.dma_semaphore, #tpu.memory_space<semaphore_mem>>) {add = true}
        %dma_wait3A_45 = arith.constant 0 : i32
        %dma_wait3A_46 = tpu.memref_slice %arg7[%scan3A_28, %dma_wait3A_45] : memref<80x128xi32, #tpu.memory_space<vmem>> -> memref<1x128xi32, #tpu.memory_space<vmem>>
        %dma_wait3A_47 = tpu.memref_squeeze %dma_wait3A_46 : memref<1x128xi32, #tpu.memory_space<vmem>> -> memref<128xi32, #tpu.memory_space<vmem>>
        %dma_wait3A_48 = arith.constant 0 : i32
        %dma_wait3A_49 = arith.constant 0 : i32
        %dma_wait3A_50 = tpu.memref_slice %arg10[%dma_wait3A_48, %dma_wait3A_49] : memref<10240x64xf32, #tpu.memory_space<vmem_shared>> -> memref<10240x64xf32, #tpu.memory_space<vmem_shared>>
        tpu.wait_indirect_dma semaphore(%run_scoped3A : memref<!tpu.dma_semaphore, #tpu.memory_space<semaphore_mem>>) src(%arg8 : memref<128x64xf32, #tpu.memory_space<vmem>>) dst(%dma_wait3A_50 : memref<10240x64xf32, #tpu.memory_space<vmem_shared>>)
        tpu.yield
      }) : () -> ()
    }
    %scan3A_20 = arith.constant 80 : i32
    %barrier3A_21 = arith.constant 0 : index
    tpu.barrier barrier_id(%barrier3A_21)
    %scan3A_22 = arith.constant 0 : i32
    %scan3A_23 = arith.constant 0 : i32
    %scan3A_24 = arith.constant 5 : i32
    %scan3A_25 = arith.addi %scan3A_23, %scan3A_24 : i32
    %scan3A_26 = arith.constant 1 : i32
    scf.for %scan3A_28 = %scan3A_23 to %scan3A_25 step %scan3A_26  : i32 {
      %mul3A_29 = arith.constant 640 : i32
      %mul3A_30 = arith.muli %arg1, %mul3A_29 : i32
      %mul3A_31 = arith.constant 128 : i32
      %mul3A_32 = arith.muli %scan3A_28, %mul3A_31 : i32
      %add3A_33 = arith.addi %mul3A_30, %mul3A_32 : i32
      "tpu.region"() ({
        %run_scoped3A = tpu.sem_alloc : memref<!tpu.dma_semaphore, #tpu.memory_space<semaphore_mem>>
        %dma_start3A = arith.constant 0 : i32
        %dma_start3A_34 = tpu.memref_slice %arg5[%arg0, %add3A_33, %dma_start3A] : memref<2x10240x64xf32, #tpu.memory_space<hbm>> -> memref<1x128x64xf32, #tpu.memory_space<hbm>>
        %dma_start3A_35 = tpu.memref_squeeze %dma_start3A_34 : memref<1x128x64xf32, #tpu.memory_space<hbm>> -> memref<128x64xf32, #tpu.memory_space<hbm>>
        %dma_start3A_36 = arith.constant 0 : i32
        %dma_start3A_37 = tpu.memref_slice %arg10[%add3A_33, %dma_start3A_36] : memref<10240x64xf32, #tpu.memory_space<vmem_shared>> -> memref<128x64xf32, #tpu.memory_space<vmem_shared>>
        tpu.enqueue_dma source(%dma_start3A_37 : memref<128x64xf32, #tpu.memory_space<vmem_shared>>) target(%dma_start3A_35 : memref<128x64xf32, #tpu.memory_space<hbm>>) target_semaphore(%run_scoped3A : memref<!tpu.dma_semaphore, #tpu.memory_space<semaphore_mem>>)
        %dma_wait3A = arith.constant 0 : i32
        %dma_wait3A_38 = tpu.memref_slice %arg5[%arg0, %add3A_33, %dma_wait3A] : memref<2x10240x64xf32, #tpu.memory_space<hbm>> -> memref<1x128x64xf32, #tpu.memory_space<hbm>>
        %dma_wait3A_39 = tpu.memref_squeeze %dma_wait3A_38 : memref<1x128x64xf32, #tpu.memory_space<hbm>> -> memref<128x64xf32, #tpu.memory_space<hbm>>
        %dma_wait3A_40 = arith.constant 0 : i32
        %dma_wait3A_41 = tpu.memref_slice %arg10[%add3A_33, %dma_wait3A_40] : memref<10240x64xf32, #tpu.memory_space<vmem_shared>> -> memref<128x64xf32, #tpu.memory_space<vmem_shared>>
        tpu.wait_dma2 semaphore(%run_scoped3A : memref<!tpu.dma_semaphore, #tpu.memory_space<semaphore_mem>>) src(%dma_wait3A_41 : memref<128x64xf32, #tpu.memory_space<vmem_shared>>) dst(%dma_wait3A_39 : memref<128x64xf32, #tpu.memory_space<hbm>>)
        tpu.yield
      }) : () -> ()
    }
    %scan3A_27 = arith.constant 5 : i32
    return
  }
}

#map = affine_map<(d0, d1) -> (0, 0)>
#map1 = affine_map<(d0, d1) -> (0, 0, 0)>
module attributes {stable_mosaic.version = 14 : i64} {
  func.func @_sc_agg_l0(%arg0: i32, %arg1: i32, %arg2: memref<20000x64xf32, #tpu.memory_space<hbm>>, %arg3: memref<2x2560x128xi32, #tpu.memory_space<hbm>>, %arg4: memref<2560x128xi32, #tpu.memory_space<hbm>>, %arg5: memref<2x10240x64xf32, #tpu.memory_space<hbm>>, %arg6: memref<2x10240x16xf32, #tpu.memory_space<hbm>>, %arg7: memref<160x128xi32, #tpu.memory_space<vmem>>, %arg8: memref<160x128xi32, #tpu.memory_space<vmem>>, %arg9: memref<128x64xf32, #tpu.memory_space<vmem>>, %arg10: memref<128x64xf32, #tpu.memory_space<vmem>>, %arg11: memref<128x16xf32, #tpu.memory_space<vmem>>, %arg12: memref<128x16xf32, #tpu.memory_space<vmem>>, %arg13: memref<10240x64xf32, #tpu.memory_space<vmem_shared>>, %arg14: memref<10240x16xf32, #tpu.memory_space<vmem_shared>>, %arg15: memref<!tpu.dma_semaphore, #tpu.memory_space<semaphore_mem>>) attributes {dimension_semantics = [#tpu.dimension_semantics<core_parallel>, #tpu.dimension_semantics<subcore_parallel>], iteration_bounds = array<i64: 2, 16>, scalar_prefetch = 0 : i64, scratch_operands = 9 : i64, tpu.core_type = #tpu.core_type<sc_vector_subcore>, window_params = [{transform_indices = #map}, {transform_indices = #map1}, {transform_indices = #map}, {transform_indices = #map1}, {transform_indices = #map1}]} {
    %broadcast_in_dim3A = arith.constant 0.000000e+00 : f32
    %broadcast_in_dim3A_0 = vector.broadcast %broadcast_in_dim3A : f32 to vector<16xf32>
    %scan3A = arith.constant 0 : i32
    %scan3A_1 = arith.constant 0 : i32
    %scan3A_2 = arith.constant 128 : i32
    %scan3A_3 = arith.addi %scan3A_1, %scan3A_2 : i32
    %scan3A_4 = arith.constant 1 : i32
    scf.for %scan3A_42 = %scan3A_1 to %scan3A_3 step %scan3A_4  : i32 {
      %swap3A = arith.index_cast %scan3A_42 : i32 to index
      %swap3A_43 = arith.constant 0 : index
      %swap3A_44 = tpu.vector_load %arg10[%swap3A, %swap3A_43] {strides = array<i32>} : memref<128x64xf32, #tpu.memory_space<vmem>>, vector<1x16xf32>,
      %swap3A_45 = vector.shape_cast %swap3A_44 : vector<1x16xf32> to vector<16xf32>
      %swap3A_46 = vector.shape_cast %broadcast_in_dim3A_0 : vector<16xf32> to vector<1x16xf32>
      tpu.vector_store %arg10[%swap3A, %swap3A_43], %swap3A_46 {strides = array<i32>} : memref<128x64xf32, #tpu.memory_space<vmem>>, vector<1x16xf32>,
      %swap3A_47 = arith.index_cast %scan3A_42 : i32 to index
      %swap3A_48 = arith.constant 16 : index
      %swap3A_49 = tpu.vector_load %arg10[%swap3A_47, %swap3A_48] {strides = array<i32>} : memref<128x64xf32, #tpu.memory_space<vmem>>, vector<1x16xf32>,
      %swap3A_50 = vector.shape_cast %swap3A_49 : vector<1x16xf32> to vector<16xf32>
      %swap3A_51 = vector.shape_cast %broadcast_in_dim3A_0 : vector<16xf32> to vector<1x16xf32>
      tpu.vector_store %arg10[%swap3A_47, %swap3A_48], %swap3A_51 {strides = array<i32>} : memref<128x64xf32, #tpu.memory_space<vmem>>, vector<1x16xf32>,
      %swap3A_52 = arith.index_cast %scan3A_42 : i32 to index
      %swap3A_53 = arith.constant 32 : index
      %swap3A_54 = tpu.vector_load %arg10[%swap3A_52, %swap3A_53] {strides = array<i32>} : memref<128x64xf32, #tpu.memory_space<vmem>>, vector<1x16xf32>,
      %swap3A_55 = vector.shape_cast %swap3A_54 : vector<1x16xf32> to vector<16xf32>
      %swap3A_56 = vector.shape_cast %broadcast_in_dim3A_0 : vector<16xf32> to vector<1x16xf32>
      tpu.vector_store %arg10[%swap3A_52, %swap3A_53], %swap3A_56 {strides = array<i32>} : memref<128x64xf32, #tpu.memory_space<vmem>>, vector<1x16xf32>,
      %swap3A_57 = arith.index_cast %scan3A_42 : i32 to index
      %swap3A_58 = arith.constant 48 : index
      %swap3A_59 = tpu.vector_load %arg10[%swap3A_57, %swap3A_58] {strides = array<i32>} : memref<128x64xf32, #tpu.memory_space<vmem>>, vector<1x16xf32>,
      %swap3A_60 = vector.shape_cast %swap3A_59 : vector<1x16xf32> to vector<16xf32>
      %swap3A_61 = vector.shape_cast %broadcast_in_dim3A_0 : vector<16xf32> to vector<1x16xf32>
      tpu.vector_store %arg10[%swap3A_57, %swap3A_58], %swap3A_61 {strides = array<i32>} : memref<128x64xf32, #tpu.memory_space<vmem>>, vector<1x16xf32>,
    }
    %scan3A_5 = arith.constant 128 : i32
    %broadcast_in_dim3A_6 = arith.constant 0.000000e+00 : f32
    %broadcast_in_dim3A_7 = vector.broadcast %broadcast_in_dim3A_6 : f32 to vector<16xf32>
    %scan3A_8 = arith.constant 0 : i32
    %scan3A_9 = arith.constant 0 : i32
    %scan3A_10 = arith.constant 128 : i32
    %scan3A_11 = arith.addi %scan3A_9, %scan3A_10 : i32
    %scan3A_12 = arith.constant 1 : i32
    scf.for %scan3A_42 = %scan3A_9 to %scan3A_11 step %scan3A_12  : i32 {
      %swap3A = arith.index_cast %scan3A_42 : i32 to index
      %swap3A_43 = arith.constant 0 : index
      %swap3A_44 = tpu.vector_load %arg12[%swap3A, %swap3A_43] {strides = array<i32>} : memref<128x16xf32, #tpu.memory_space<vmem>>, vector<1x16xf32>,
      %swap3A_45 = vector.shape_cast %swap3A_44 : vector<1x16xf32> to vector<16xf32>
      %swap3A_46 = vector.shape_cast %broadcast_in_dim3A_7 : vector<16xf32> to vector<1x16xf32>
      tpu.vector_store %arg12[%swap3A, %swap3A_43], %swap3A_46 {strides = array<i32>} : memref<128x16xf32, #tpu.memory_space<vmem>>, vector<1x16xf32>,
    }
    %scan3A_13 = arith.constant 128 : i32
    %broadcast_in_dim3A_14 = arith.constant 1.000000e+00 : f32
    %broadcast_in_dim3A_15 = vector.broadcast %broadcast_in_dim3A_14 : f32 to vector<16xf32>
    %scan3A_16 = arith.constant 0 : i32
    %scan3A_17 = arith.constant 0 : i32
    %scan3A_18 = arith.constant 128 : i32
    %scan3A_19 = arith.addi %scan3A_17, %scan3A_18 : i32
    %scan3A_20 = arith.constant 1 : i32
    scf.for %scan3A_42 = %scan3A_17 to %scan3A_19 step %scan3A_20  : i32 {
      %swap3A = arith.index_cast %scan3A_42 : i32 to index
      %swap3A_43 = arith.constant 0 : index
      %swap3A_44 = tpu.vector_load %arg11[%swap3A, %swap3A_43] {strides = array<i32>} : memref<128x16xf32, #tpu.memory_space<vmem>>, vector<1x16xf32>,
      %swap3A_45 = vector.shape_cast %swap3A_44 : vector<1x16xf32> to vector<16xf32>
      %swap3A_46 = vector.shape_cast %broadcast_in_dim3A_15 : vector<16xf32> to vector<1x16xf32>
      tpu.vector_store %arg11[%swap3A, %swap3A_43], %swap3A_46 {strides = array<i32>} : memref<128x16xf32, #tpu.memory_space<vmem>>, vector<1x16xf32>,
    }
    %scan3A_21 = arith.constant 128 : i32
    %scan3A_22 = arith.constant 0 : i32
    %scan3A_23 = arith.constant 0 : i32
    %scan3A_24 = arith.constant 5 : i32
    %scan3A_25 = arith.addi %scan3A_23, %scan3A_24 : i32
    %scan3A_26 = arith.constant 1 : i32
    scf.for %scan3A_42 = %scan3A_23 to %scan3A_25 step %scan3A_26  : i32 {
      %mul3A_43 = arith.constant 640 : i32
      %mul3A_44 = arith.muli %arg1, %mul3A_43 : i32
      %mul3A_45 = arith.constant 128 : i32
      %mul3A_46 = arith.muli %scan3A_42, %mul3A_45 : i32
      %add3A = arith.addi %mul3A_44, %mul3A_46 : i32
      "tpu.region"() ({
        %run_scoped3A = tpu.sem_alloc : memref<!tpu.dma_semaphore, #tpu.memory_space<semaphore_mem>>
        %dma_start3A = arith.constant 0 : i32
        %dma_start3A_47 = tpu.memref_slice %arg13[%add3A, %dma_start3A] : memref<10240x64xf32, #tpu.memory_space<vmem_shared>> -> memref<128x64xf32, #tpu.memory_space<vmem_shared>>
        %dma_start3A_48 = arith.constant 0 : i32
        %dma_start3A_49 = tpu.memref_slice %arg13[%add3A, %dma_start3A_48] : memref<10240x64xf32, #tpu.memory_space<vmem_shared>> -> memref<128x64xf32, #tpu.memory_space<vmem_shared>>
        tpu.enqueue_dma source(%arg10 : memref<128x64xf32, #tpu.memory_space<vmem>>) target(%dma_start3A_49 : memref<128x64xf32, #tpu.memory_space<vmem_shared>>) target_semaphore(%run_scoped3A : memref<!tpu.dma_semaphore, #tpu.memory_space<semaphore_mem>>)
        %dma_wait3A = arith.constant 0 : i32
        %dma_wait3A_50 = tpu.memref_slice %arg13[%add3A, %dma_wait3A] : memref<10240x64xf32, #tpu.memory_space<vmem_shared>> -> memref<128x64xf32, #tpu.memory_space<vmem_shared>>
        %dma_wait3A_51 = arith.constant 0 : i32
        %dma_wait3A_52 = tpu.memref_slice %arg13[%add3A, %dma_wait3A_51] : memref<10240x64xf32, #tpu.memory_space<vmem_shared>> -> memref<128x64xf32, #tpu.memory_space<vmem_shared>>
        tpu.wait_dma2 semaphore(%run_scoped3A : memref<!tpu.dma_semaphore, #tpu.memory_space<semaphore_mem>>) src(%arg10 : memref<128x64xf32, #tpu.memory_space<vmem>>) dst(%dma_wait3A_52 : memref<128x64xf32, #tpu.memory_space<vmem_shared>>)
        tpu.yield
      }) : () -> ()
      "tpu.region"() ({
        %run_scoped3A = tpu.sem_alloc : memref<!tpu.dma_semaphore, #tpu.memory_space<semaphore_mem>>
        %dma_start3A = arith.constant 0 : i32
        %dma_start3A_47 = tpu.memref_slice %arg14[%add3A, %dma_start3A] : memref<10240x16xf32, #tpu.memory_space<vmem_shared>> -> memref<128x16xf32, #tpu.memory_space<vmem_shared>>
        %dma_start3A_48 = arith.constant 0 : i32
        %dma_start3A_49 = tpu.memref_slice %arg14[%add3A, %dma_start3A_48] : memref<10240x16xf32, #tpu.memory_space<vmem_shared>> -> memref<128x16xf32, #tpu.memory_space<vmem_shared>>
        tpu.enqueue_dma source(%arg12 : memref<128x16xf32, #tpu.memory_space<vmem>>) target(%dma_start3A_49 : memref<128x16xf32, #tpu.memory_space<vmem_shared>>) target_semaphore(%run_scoped3A : memref<!tpu.dma_semaphore, #tpu.memory_space<semaphore_mem>>)
        %dma_wait3A = arith.constant 0 : i32
        %dma_wait3A_50 = tpu.memref_slice %arg14[%add3A, %dma_wait3A] : memref<10240x16xf32, #tpu.memory_space<vmem_shared>> -> memref<128x16xf32, #tpu.memory_space<vmem_shared>>
        %dma_wait3A_51 = arith.constant 0 : i32
        %dma_wait3A_52 = tpu.memref_slice %arg14[%add3A, %dma_wait3A_51] : memref<10240x16xf32, #tpu.memory_space<vmem_shared>> -> memref<128x16xf32, #tpu.memory_space<vmem_shared>>
        tpu.wait_dma2 semaphore(%run_scoped3A : memref<!tpu.dma_semaphore, #tpu.memory_space<semaphore_mem>>) src(%arg12 : memref<128x16xf32, #tpu.memory_space<vmem>>) dst(%dma_wait3A_52 : memref<128x16xf32, #tpu.memory_space<vmem_shared>>)
        tpu.yield
      }) : () -> ()
    }
    %scan3A_27 = arith.constant 5 : i32
    %barrier3A = arith.constant 0 : index
    tpu.barrier barrier_id(%barrier3A)
    %mul3A = arith.constant 160 : i32
    %mul3A_28 = arith.muli %arg1, %mul3A : i32
    "tpu.region"() ({
      %run_scoped3A = tpu.sem_alloc : memref<!tpu.dma_semaphore, #tpu.memory_space<semaphore_mem>>
      %dma_start3A = arith.constant 0 : i32
      %dma_start3A_42 = tpu.memref_slice %arg3[%arg0, %mul3A_28, %dma_start3A] : memref<2x2560x128xi32, #tpu.memory_space<hbm>> -> memref<1x160x128xi32, #tpu.memory_space<hbm>>
      %dma_start3A_43 = tpu.memref_squeeze %dma_start3A_42 : memref<1x160x128xi32, #tpu.memory_space<hbm>> -> memref<160x128xi32, #tpu.memory_space<hbm>>
      %dma_start3A_44 = arith.constant 0 : i32
      %dma_start3A_45 = tpu.memref_slice %arg3[%arg0, %mul3A_28, %dma_start3A_44] : memref<2x2560x128xi32, #tpu.memory_space<hbm>> -> memref<1x160x128xi32, #tpu.memory_space<hbm>>
      %dma_start3A_46 = tpu.memref_squeeze %dma_start3A_45 : memref<1x160x128xi32, #tpu.memory_space<hbm>> -> memref<160x128xi32, #tpu.memory_space<hbm>>
      tpu.enqueue_dma source(%dma_start3A_46 : memref<160x128xi32, #tpu.memory_space<hbm>>) target(%arg7 : memref<160x128xi32, #tpu.memory_space<vmem>>) target_semaphore(%run_scoped3A : memref<!tpu.dma_semaphore, #tpu.memory_space<semaphore_mem>>)
      %dma_wait3A = arith.constant 0 : i32
      %dma_wait3A_47 = tpu.memref_slice %arg3[%arg0, %mul3A_28, %dma_wait3A] : memref<2x2560x128xi32, #tpu.memory_space<hbm>> -> memref<1x160x128xi32, #tpu.memory_space<hbm>>
      %dma_wait3A_48 = tpu.memref_squeeze %dma_wait3A_47 : memref<1x160x128xi32, #tpu.memory_space<hbm>> -> memref<160x128xi32, #tpu.memory_space<hbm>>
      %dma_wait3A_49 = arith.constant 0 : i32
      %dma_wait3A_50 = tpu.memref_slice %arg3[%arg0, %mul3A_28, %dma_wait3A_49] : memref<2x2560x128xi32, #tpu.memory_space<hbm>> -> memref<1x160x128xi32, #tpu.memory_space<hbm>>
      %dma_wait3A_51 = tpu.memref_squeeze %dma_wait3A_50 : memref<1x160x128xi32, #tpu.memory_space<hbm>> -> memref<160x128xi32, #tpu.memory_space<hbm>>
      tpu.wait_dma2 semaphore(%run_scoped3A : memref<!tpu.dma_semaphore, #tpu.memory_space<semaphore_mem>>) src(%dma_wait3A_51 : memref<160x128xi32, #tpu.memory_space<hbm>>) dst(%arg7 : memref<160x128xi32, #tpu.memory_space<vmem>>)
      tpu.yield
    }) : () -> ()
    "tpu.region"() ({
      %run_scoped3A = tpu.sem_alloc : memref<!tpu.dma_semaphore, #tpu.memory_space<semaphore_mem>>
      %dma_start3A = arith.constant 0 : i32
      %dma_start3A_42 = tpu.memref_slice %arg4[%mul3A_28, %dma_start3A] : memref<2560x128xi32, #tpu.memory_space<hbm>> -> memref<160x128xi32, #tpu.memory_space<hbm>>
      %dma_start3A_43 = arith.constant 0 : i32
      %dma_start3A_44 = tpu.memref_slice %arg4[%mul3A_28, %dma_start3A_43] : memref<2560x128xi32, #tpu.memory_space<hbm>> -> memref<160x128xi32, #tpu.memory_space<hbm>>
      tpu.enqueue_dma source(%dma_start3A_44 : memref<160x128xi32, #tpu.memory_space<hbm>>) target(%arg8 : memref<160x128xi32, #tpu.memory_space<vmem>>) target_semaphore(%run_scoped3A : memref<!tpu.dma_semaphore, #tpu.memory_space<semaphore_mem>>)
      %dma_wait3A = arith.constant 0 : i32
      %dma_wait3A_45 = tpu.memref_slice %arg4[%mul3A_28, %dma_wait3A] : memref<2560x128xi32, #tpu.memory_space<hbm>> -> memref<160x128xi32, #tpu.memory_space<hbm>>
      %dma_wait3A_46 = arith.constant 0 : i32
      %dma_wait3A_47 = tpu.memref_slice %arg4[%mul3A_28, %dma_wait3A_46] : memref<2560x128xi32, #tpu.memory_space<hbm>> -> memref<160x128xi32, #tpu.memory_space<hbm>>
      tpu.wait_dma2 semaphore(%run_scoped3A : memref<!tpu.dma_semaphore, #tpu.memory_space<semaphore_mem>>) src(%dma_wait3A_47 : memref<160x128xi32, #tpu.memory_space<hbm>>) dst(%arg8 : memref<160x128xi32, #tpu.memory_space<vmem>>)
      tpu.yield
    }) : () -> ()
    %scan3A_29 = arith.constant 0 : i32
    %scan3A_30 = arith.constant 0 : i32
    %scan3A_31 = arith.constant 160 : i32
    %scan3A_32 = arith.addi %scan3A_30, %scan3A_31 : i32
    %scan3A_33 = arith.constant 1 : i32
    scf.for %scan3A_42 = %scan3A_30 to %scan3A_32 step %scan3A_33  : i32 {
      %dma_start3A = arith.constant 0 : i32
      %dma_start3A_43 = tpu.memref_slice %arg7[%scan3A_42, %dma_start3A] : memref<160x128xi32, #tpu.memory_space<vmem>> -> memref<1x128xi32, #tpu.memory_space<vmem>>
      %dma_start3A_44 = tpu.memref_squeeze %dma_start3A_43 : memref<1x128xi32, #tpu.memory_space<vmem>> -> memref<128xi32, #tpu.memory_space<vmem>>
      %dma_start3A_45 = arith.constant 0 : i32
      %dma_start3A_46 = arith.constant 0 : i32
      %dma_start3A_47 = tpu.memref_slice %arg2[%dma_start3A_45, %dma_start3A_46] : memref<20000x64xf32, #tpu.memory_space<hbm>> -> memref<20000x64xf32, #tpu.memory_space<hbm>>
      tpu.enqueue_indirect_dma source(%dma_start3A_47 : memref<20000x64xf32, #tpu.memory_space<hbm>>) target(%arg9 : memref<128x64xf32, #tpu.memory_space<vmem>>) offsets(%dma_start3A_44 : memref<128xi32, #tpu.memory_space<vmem>>) semaphore(%arg15 : memref<!tpu.dma_semaphore, #tpu.memory_space<semaphore_mem>>)
      %dma_wait3A = arith.constant 0 : i32
      %dma_wait3A_48 = tpu.memref_slice %arg7[%scan3A_42, %dma_wait3A] : memref<160x128xi32, #tpu.memory_space<vmem>> -> memref<1x128xi32, #tpu.memory_space<vmem>>
      %dma_wait3A_49 = tpu.memref_squeeze %dma_wait3A_48 : memref<1x128xi32, #tpu.memory_space<vmem>> -> memref<128xi32, #tpu.memory_space<vmem>>
      %dma_wait3A_50 = arith.constant 0 : i32
      %dma_wait3A_51 = arith.constant 0 : i32
      %dma_wait3A_52 = tpu.memref_slice %arg2[%dma_wait3A_50, %dma_wait3A_51] : memref<20000x64xf32, #tpu.memory_space<hbm>> -> memref<20000x64xf32, #tpu.memory_space<hbm>>
      tpu.wait_indirect_dma semaphore(%arg15 : memref<!tpu.dma_semaphore, #tpu.memory_space<semaphore_mem>>) src(%dma_wait3A_52 : memref<20000x64xf32, #tpu.memory_space<hbm>>) dst(%arg9 : memref<128x64xf32, #tpu.memory_space<vmem>>)
      "tpu.region"() ({
        %run_scoped3A = tpu.sem_alloc : memref<!tpu.dma_semaphore, #tpu.memory_space<semaphore_mem>>
        %dma_start3A_53 = arith.constant 0 : i32
        %dma_start3A_54 = tpu.memref_slice %arg8[%scan3A_42, %dma_start3A_53] : memref<160x128xi32, #tpu.memory_space<vmem>> -> memref<1x128xi32, #tpu.memory_space<vmem>>
        %dma_start3A_55 = tpu.memref_squeeze %dma_start3A_54 : memref<1x128xi32, #tpu.memory_space<vmem>> -> memref<128xi32, #tpu.memory_space<vmem>>
        %dma_start3A_56 = arith.constant 0 : i32
        %dma_start3A_57 = arith.constant 0 : i32
        %dma_start3A_58 = tpu.memref_slice %arg13[%dma_start3A_56, %dma_start3A_57] : memref<10240x64xf32, #tpu.memory_space<vmem_shared>> -> memref<10240x64xf32, #tpu.memory_space<vmem_shared>>
        tpu.enqueue_indirect_dma source(%arg9 : memref<128x64xf32, #tpu.memory_space<vmem>>) target(%dma_start3A_58 : memref<10240x64xf32, #tpu.memory_space<vmem_shared>>) offsets(%dma_start3A_55 : memref<128xi32, #tpu.memory_space<vmem>>) semaphore(%run_scoped3A : memref<!tpu.dma_semaphore, #tpu.memory_space<semaphore_mem>>) {add = true}
        %dma_wait3A_59 = arith.constant 0 : i32
        %dma_wait3A_60 = tpu.memref_slice %arg8[%scan3A_42, %dma_wait3A_59] : memref<160x128xi32, #tpu.memory_space<vmem>> -> memref<1x128xi32, #tpu.memory_space<vmem>>
        %dma_wait3A_61 = tpu.memref_squeeze %dma_wait3A_60 : memref<1x128xi32, #tpu.memory_space<vmem>> -> memref<128xi32, #tpu.memory_space<vmem>>
        %dma_wait3A_62 = arith.constant 0 : i32
        %dma_wait3A_63 = arith.constant 0 : i32
        %dma_wait3A_64 = tpu.memref_slice %arg13[%dma_wait3A_62, %dma_wait3A_63] : memref<10240x64xf32, #tpu.memory_space<vmem_shared>> -> memref<10240x64xf32, #tpu.memory_space<vmem_shared>>
        tpu.wait_indirect_dma semaphore(%run_scoped3A : memref<!tpu.dma_semaphore, #tpu.memory_space<semaphore_mem>>) src(%arg9 : memref<128x64xf32, #tpu.memory_space<vmem>>) dst(%dma_wait3A_64 : memref<10240x64xf32, #tpu.memory_space<vmem_shared>>)
        tpu.yield
      }) : () -> ()
      "tpu.region"() ({
        %run_scoped3A = tpu.sem_alloc : memref<!tpu.dma_semaphore, #tpu.memory_space<semaphore_mem>>
        %dma_start3A_53 = arith.constant 0 : i32
        %dma_start3A_54 = tpu.memref_slice %arg8[%scan3A_42, %dma_start3A_53] : memref<160x128xi32, #tpu.memory_space<vmem>> -> memref<1x128xi32, #tpu.memory_space<vmem>>
        %dma_start3A_55 = tpu.memref_squeeze %dma_start3A_54 : memref<1x128xi32, #tpu.memory_space<vmem>> -> memref<128xi32, #tpu.memory_space<vmem>>
        %dma_start3A_56 = arith.constant 0 : i32
        %dma_start3A_57 = arith.constant 0 : i32
        %dma_start3A_58 = tpu.memref_slice %arg14[%dma_start3A_56, %dma_start3A_57] : memref<10240x16xf32, #tpu.memory_space<vmem_shared>> -> memref<10240x16xf32, #tpu.memory_space<vmem_shared>>
        tpu.enqueue_indirect_dma source(%arg11 : memref<128x16xf32, #tpu.memory_space<vmem>>) target(%dma_start3A_58 : memref<10240x16xf32, #tpu.memory_space<vmem_shared>>) offsets(%dma_start3A_55 : memref<128xi32, #tpu.memory_space<vmem>>) semaphore(%run_scoped3A : memref<!tpu.dma_semaphore, #tpu.memory_space<semaphore_mem>>) {add = true}
        %dma_wait3A_59 = arith.constant 0 : i32
        %dma_wait3A_60 = tpu.memref_slice %arg8[%scan3A_42, %dma_wait3A_59] : memref<160x128xi32, #tpu.memory_space<vmem>> -> memref<1x128xi32, #tpu.memory_space<vmem>>
        %dma_wait3A_61 = tpu.memref_squeeze %dma_wait3A_60 : memref<1x128xi32, #tpu.memory_space<vmem>> -> memref<128xi32, #tpu.memory_space<vmem>>
        %dma_wait3A_62 = arith.constant 0 : i32
        %dma_wait3A_63 = arith.constant 0 : i32
        %dma_wait3A_64 = tpu.memref_slice %arg14[%dma_wait3A_62, %dma_wait3A_63] : memref<10240x16xf32, #tpu.memory_space<vmem_shared>> -> memref<10240x16xf32, #tpu.memory_space<vmem_shared>>
        tpu.wait_indirect_dma semaphore(%run_scoped3A : memref<!tpu.dma_semaphore, #tpu.memory_space<semaphore_mem>>) src(%arg11 : memref<128x16xf32, #tpu.memory_space<vmem>>) dst(%dma_wait3A_64 : memref<10240x16xf32, #tpu.memory_space<vmem_shared>>)
        tpu.yield
      }) : () -> ()
    }
    %scan3A_34 = arith.constant 160 : i32
    %barrier3A_35 = arith.constant 0 : index
    tpu.barrier barrier_id(%barrier3A_35)
    %scan3A_36 = arith.constant 0 : i32
    %scan3A_37 = arith.constant 0 : i32
    %scan3A_38 = arith.constant 5 : i32
    %scan3A_39 = arith.addi %scan3A_37, %scan3A_38 : i32
    %scan3A_40 = arith.constant 1 : i32
    scf.for %scan3A_42 = %scan3A_37 to %scan3A_39 step %scan3A_40  : i32 {
      %mul3A_43 = arith.constant 640 : i32
      %mul3A_44 = arith.muli %arg1, %mul3A_43 : i32
      %mul3A_45 = arith.constant 128 : i32
      %mul3A_46 = arith.muli %scan3A_42, %mul3A_45 : i32
      %add3A = arith.addi %mul3A_44, %mul3A_46 : i32
      "tpu.region"() ({
        %run_scoped3A = tpu.sem_alloc : memref<!tpu.dma_semaphore, #tpu.memory_space<semaphore_mem>>
        %dma_start3A = arith.constant 0 : i32
        %dma_start3A_47 = tpu.memref_slice %arg5[%arg0, %add3A, %dma_start3A] : memref<2x10240x64xf32, #tpu.memory_space<hbm>> -> memref<1x128x64xf32, #tpu.memory_space<hbm>>
        %dma_start3A_48 = tpu.memref_squeeze %dma_start3A_47 : memref<1x128x64xf32, #tpu.memory_space<hbm>> -> memref<128x64xf32, #tpu.memory_space<hbm>>
        %dma_start3A_49 = arith.constant 0 : i32
        %dma_start3A_50 = tpu.memref_slice %arg13[%add3A, %dma_start3A_49] : memref<10240x64xf32, #tpu.memory_space<vmem_shared>> -> memref<128x64xf32, #tpu.memory_space<vmem_shared>>
        tpu.enqueue_dma source(%dma_start3A_50 : memref<128x64xf32, #tpu.memory_space<vmem_shared>>) target(%dma_start3A_48 : memref<128x64xf32, #tpu.memory_space<hbm>>) target_semaphore(%run_scoped3A : memref<!tpu.dma_semaphore, #tpu.memory_space<semaphore_mem>>)
        %dma_wait3A = arith.constant 0 : i32
        %dma_wait3A_51 = tpu.memref_slice %arg5[%arg0, %add3A, %dma_wait3A] : memref<2x10240x64xf32, #tpu.memory_space<hbm>> -> memref<1x128x64xf32, #tpu.memory_space<hbm>>
        %dma_wait3A_52 = tpu.memref_squeeze %dma_wait3A_51 : memref<1x128x64xf32, #tpu.memory_space<hbm>> -> memref<128x64xf32, #tpu.memory_space<hbm>>
        %dma_wait3A_53 = arith.constant 0 : i32
        %dma_wait3A_54 = tpu.memref_slice %arg13[%add3A, %dma_wait3A_53] : memref<10240x64xf32, #tpu.memory_space<vmem_shared>> -> memref<128x64xf32, #tpu.memory_space<vmem_shared>>
        tpu.wait_dma2 semaphore(%run_scoped3A : memref<!tpu.dma_semaphore, #tpu.memory_space<semaphore_mem>>) src(%dma_wait3A_54 : memref<128x64xf32, #tpu.memory_space<vmem_shared>>) dst(%dma_wait3A_52 : memref<128x64xf32, #tpu.memory_space<hbm>>)
        tpu.yield
      }) : () -> ()
      "tpu.region"() ({
        %run_scoped3A = tpu.sem_alloc : memref<!tpu.dma_semaphore, #tpu.memory_space<semaphore_mem>>
        %dma_start3A = arith.constant 0 : i32
        %dma_start3A_47 = tpu.memref_slice %arg6[%arg0, %add3A, %dma_start3A] : memref<2x10240x16xf32, #tpu.memory_space<hbm>> -> memref<1x128x16xf32, #tpu.memory_space<hbm>>
        %dma_start3A_48 = tpu.memref_squeeze %dma_start3A_47 : memref<1x128x16xf32, #tpu.memory_space<hbm>> -> memref<128x16xf32, #tpu.memory_space<hbm>>
        %dma_start3A_49 = arith.constant 0 : i32
        %dma_start3A_50 = tpu.memref_slice %arg14[%add3A, %dma_start3A_49] : memref<10240x16xf32, #tpu.memory_space<vmem_shared>> -> memref<128x16xf32, #tpu.memory_space<vmem_shared>>
        tpu.enqueue_dma source(%dma_start3A_50 : memref<128x16xf32, #tpu.memory_space<vmem_shared>>) target(%dma_start3A_48 : memref<128x16xf32, #tpu.memory_space<hbm>>) target_semaphore(%run_scoped3A : memref<!tpu.dma_semaphore, #tpu.memory_space<semaphore_mem>>)
        %dma_wait3A = arith.constant 0 : i32
        %dma_wait3A_51 = tpu.memref_slice %arg6[%arg0, %add3A, %dma_wait3A] : memref<2x10240x16xf32, #tpu.memory_space<hbm>> -> memref<1x128x16xf32, #tpu.memory_space<hbm>>
        %dma_wait3A_52 = tpu.memref_squeeze %dma_wait3A_51 : memref<1x128x16xf32, #tpu.memory_space<hbm>> -> memref<128x16xf32, #tpu.memory_space<hbm>>
        %dma_wait3A_53 = arith.constant 0 : i32
        %dma_wait3A_54 = tpu.memref_slice %arg14[%add3A, %dma_wait3A_53] : memref<10240x16xf32, #tpu.memory_space<vmem_shared>> -> memref<128x16xf32, #tpu.memory_space<vmem_shared>>
        tpu.wait_dma2 semaphore(%run_scoped3A : memref<!tpu.dma_semaphore, #tpu.memory_space<semaphore_mem>>) src(%dma_wait3A_54 : memref<128x16xf32, #tpu.memory_space<vmem_shared>>) dst(%dma_wait3A_52 : memref<128x16xf32, #tpu.memory_space<hbm>>)
        tpu.yield
      }) : () -> ()
    }
    %scan3A_41 = arith.constant 5 : i32
    return
  }
}

module attributes {stable_mosaic.version = 14 : i64} {
  func.func @_tc1_body(%arg0: i32, %arg1: memref<1000x128xf32, #tpu.memory_space<vmem>>, %arg2: memref<2x1000x64xf32, #tpu.memory_space<vmem>>, %arg3: memref<2x1000x16xf32, #tpu.memory_space<vmem>>, %arg4: memref<128x256xf32, #tpu.memory_space<vmem>>, %arg5: memref<128x256xf32, #tpu.memory_space<vmem>>, %arg6: memref<1x256xf32, #tpu.memory_space<vmem>>, %arg7: memref<256x64xf32, #tpu.memory_space<vmem>>, %arg8: memref<256x64xf32, #tpu.memory_space<vmem>>, %arg9: memref<1x64xf32, #tpu.memory_space<vmem>>, %arg10: memref<1000x64xf32, #tpu.memory_space<vmem>>, %arg11: memref<1000x64xf32, #tpu.memory_space<vmem>>) attributes {dimension_semantics = [#tpu.dimension_semantics<arbitrary>], iteration_bounds = array<i64: 10>, scalar_prefetch = 0 : i64, scratch_operands = 0 : i64, tpu.core_type = #tpu.core_type<tc>, window_params = [{transform_indices = @transform_0, window_bounds = array<i64: 1000, 128>}, {transform_indices = @transform_1, window_bounds = array<i64: 2, 1000, 64>}, {transform_indices = @transform_2, window_bounds = array<i64: 2, 1000, 16>}, {pipeline_mode = #tpu.pipeline_mode<synchronous>, transform_indices = @transform_3, window_bounds = array<i64: 128, 256>}, {pipeline_mode = #tpu.pipeline_mode<synchronous>, transform_indices = @transform_4, window_bounds = array<i64: 128, 256>}, {pipeline_mode = #tpu.pipeline_mode<synchronous>, transform_indices = @transform_5, window_bounds = array<i64: 1, 256>}, {pipeline_mode = #tpu.pipeline_mode<synchronous>, transform_indices = @transform_6, window_bounds = array<i64: 256, 64>}, {pipeline_mode = #tpu.pipeline_mode<synchronous>, transform_indices = @transform_7, window_bounds = array<i64: 256, 64>}, {pipeline_mode = #tpu.pipeline_mode<synchronous>, transform_indices = @transform_8, window_bounds = array<i64: 1, 64>}, {transform_indices = @transform_9, window_bounds = array<i64: 1000, 64>}, {transform_indices = @transform_10, window_bounds = array<i64: 1000, 64>}]} {
    %get3A = arith.constant 0 : index
    %get3A_0 = arith.constant 0 : index
    %get3A_1 = arith.constant 0 : index
    %get3A_2 = vector.load %arg2[%get3A, %get3A_0, %get3A_1] : memref<2x1000x64xf32, #tpu.memory_space<vmem>>, vector<1x1000x64xf32>
    %get3A_3 = vector.shape_cast %get3A_2 : vector<1x1000x64xf32> to vector<1000x64xf32>
    %get3A_4 = arith.constant 1 : index
    %get3A_5 = arith.constant 0 : index
    %get3A_6 = arith.constant 0 : index
    %get3A_7 = vector.load %arg2[%get3A_4, %get3A_5, %get3A_6] : memref<2x1000x64xf32, #tpu.memory_space<vmem>>, vector<1x1000x64xf32>
    %get3A_8 = vector.shape_cast %get3A_7 : vector<1x1000x64xf32> to vector<1000x64xf32>
    %concatenate3A = tpu.concatenate %get3A_3, %get3A_8 in 1 : vector<1000x64xf32>, vector<1000x64xf32> -> vector<1000x128xf32>
    %get3A_9 = arith.constant 0 : index
    %get3A_10 = arith.constant 0 : index
    %get3A_11 = arith.constant 0 : index
    %get3A_12 = vector.load %arg3[%get3A_9, %get3A_10, %get3A_11] : memref<2x1000x16xf32, #tpu.memory_space<vmem>>, vector<1x1000x1xf32>
    %get3A_13 = vector.shape_cast %get3A_12 : vector<1x1000x1xf32> to vector<1000x1xf32>
    %max3A = arith.constant 1.000000e+00 : f32
    %max3A_14 = vector.broadcast %max3A : f32 to vector<1000x1xf32>
    %max3A_15 = arith.maximumf %get3A_13, %max3A_14 : vector<1000x1xf32>
    %div3A = vector.broadcast %max3A_15 : vector<1000x1xf32> to vector<1000x128xf32>
    %div3A_16 = arith.divf %concatenate3A, %div3A : vector<1000x128xf32>
    %get3A_17 = arith.constant 0 : index
    %get3A_18 = arith.constant 0 : index
    %get3A_19 = vector.load %arg1[%get3A_17, %get3A_18] : memref<1000x128xf32, #tpu.memory_space<vmem>>, vector<1000x128xf32>
    %get3A_20 = arith.constant 0 : index
    %get3A_21 = arith.constant 0 : index
    %get3A_22 = vector.load %arg4[%get3A_20, %get3A_21] : memref<128x256xf32, #tpu.memory_space<vmem>>, vector<128x256xf32>
    %dot_general3A = arith.constant dense<0.000000e+00> : vector<1000x256xf32>
    %dot_general3A_23 = tpu.matmul %get3A_19, %get3A_22, %dot_general3A {dimension_numbers = #tpu.dot_dimension_numbers<[1], [0], [0], [1], [0, 0, 1, 1], [], []>, transpose_lhs_hint = false} : vector<1000x128xf32>, vector<128x256xf32>, vector<1000x256xf32> -> vector<1000x256xf32>
    %get3A_24 = arith.constant 0 : index
    %get3A_25 = arith.constant 0 : index
    %get3A_26 = vector.load %arg5[%get3A_24, %get3A_25] : memref<128x256xf32, #tpu.memory_space<vmem>>, vector<128x256xf32>
    %dot_general3A_27 = arith.constant dense<0.000000e+00> : vector<1000x256xf32>
    %dot_general3A_28 = tpu.matmul %div3A_16, %get3A_26, %dot_general3A_27 {dimension_numbers = #tpu.dot_dimension_numbers<[1], [0], [0], [1], [0, 0, 1, 1], [], []>, transpose_lhs_hint = false} : vector<1000x128xf32>, vector<128x256xf32>, vector<1000x256xf32> -> vector<1000x256xf32>
    %add3A = arith.addf %dot_general3A_23, %dot_general3A_28 : vector<1000x256xf32>
    %get3A_29 = arith.constant 0 : index
    %get3A_30 = arith.constant 0 : index
    %get3A_31 = vector.load %arg6[%get3A_29, %get3A_30] : memref<1x256xf32, #tpu.memory_space<vmem>>, vector<1x256xf32>
    %add3A_32 = vector.broadcast %get3A_31 : vector<1x256xf32> to vector<1000x256xf32>
    %add3A_33 = arith.addf %add3A, %add3A_32 : vector<1000x256xf32>
    %max3A_34 = arith.constant 0.000000e+00 : f32
    %max3A_35 = vector.broadcast %max3A_34 : f32 to vector<1000x256xf32>
    %max3A_36 = arith.maximumf %add3A_33, %max3A_35 : vector<1000x256xf32>
    %get3A_37 = arith.constant 0 : index
    %get3A_38 = arith.constant 0 : index
    %get3A_39 = vector.load %arg8[%get3A_37, %get3A_38] : memref<256x64xf32, #tpu.memory_space<vmem>>, vector<256x64xf32>
    %dot_general3A_40 = arith.constant dense<0.000000e+00> : vector<1000x64xf32>
    %dot_general3A_41 = tpu.matmul %max3A_36, %get3A_39, %dot_general3A_40 {dimension_numbers = #tpu.dot_dimension_numbers<[1], [0], [0], [1], [0, 0, 1, 1], [], []>, transpose_lhs_hint = false} : vector<1000x256xf32>, vector<256x64xf32>, vector<1000x64xf32> -> vector<1000x64xf32>
    %swap3A = arith.constant 0 : index
    %swap3A_42 = arith.constant 0 : index
    %swap3A_43 = vector.load %arg10[%swap3A, %swap3A_42] : memref<1000x64xf32, #tpu.memory_space<vmem>>, vector<1000x64xf32>
    tpu.vector_store %arg10[%swap3A, %swap3A_42], %dot_general3A_41 {strides = array<i32>} : memref<1000x64xf32, #tpu.memory_space<vmem>>, vector<1000x64xf32>,
    %get3A_44 = arith.constant 0 : index
    %get3A_45 = arith.constant 0 : index
    %get3A_46 = vector.load %arg7[%get3A_44, %get3A_45] : memref<256x64xf32, #tpu.memory_space<vmem>>, vector<256x64xf32>
    %dot_general3A_47 = arith.constant dense<0.000000e+00> : vector<1000x64xf32>
    %dot_general3A_48 = tpu.matmul %max3A_36, %get3A_46, %dot_general3A_47 {dimension_numbers = #tpu.dot_dimension_numbers<[1], [0], [0], [1], [0, 0, 1, 1], [], []>, transpose_lhs_hint = false} : vector<1000x256xf32>, vector<256x64xf32>, vector<1000x64xf32> -> vector<1000x64xf32>
    %get3A_49 = arith.constant 0 : index
    %get3A_50 = arith.constant 0 : index
    %get3A_51 = vector.load %arg9[%get3A_49, %get3A_50] : memref<1x64xf32, #tpu.memory_space<vmem>>, vector<1x64xf32>
    %add3A_52 = vector.broadcast %get3A_51 : vector<1x64xf32> to vector<1000x64xf32>
    %add3A_53 = arith.addf %dot_general3A_48, %add3A_52 : vector<1000x64xf32>
    %swap3A_54 = arith.constant 0 : index
    %swap3A_55 = arith.constant 0 : index
    %swap3A_56 = vector.load %arg11[%swap3A_54, %swap3A_55] : memref<1000x64xf32, #tpu.memory_space<vmem>>, vector<1000x64xf32>
    tpu.vector_store %arg11[%swap3A_54, %swap3A_55], %add3A_53 {strides = array<i32>} : memref<1000x64xf32, #tpu.memory_space<vmem>>, vector<1000x64xf32>,
    return
  }
  func.func @transform_0(%arg0: i32) -> (i32, i32) {
    %c0_i32 = arith.constant 0 : i32
    %c0_i32_0 = arith.constant 0 : i32
    return %arg0, %c0_i32 : i32, i32
  }
  func.func @transform_1(%arg0: i32) -> (i32, i32, i32) {
    %c0_i32 = arith.constant 0 : i32
    %c0_i32_0 = arith.constant 0 : i32
    %c0_i32_1 = arith.constant 0 : i32
    return %c0_i32, %arg0, %c0_i32_0 : i32, i32, i32
  }
  func.func @transform_2(%arg0: i32) -> (i32, i32, i32) {
    %c0_i32 = arith.constant 0 : i32
    %c0_i32_0 = arith.constant 0 : i32
    %c0_i32_1 = arith.constant 0 : i32
    return %c0_i32, %arg0, %c0_i32_0 : i32, i32, i32
  }
  func.func @transform_3(%arg0: i32) -> (i32, i32) {
    %c0_i32 = arith.constant 0 : i32
    %c0_i32_0 = arith.constant 0 : i32
    %c0_i32_1 = arith.constant 0 : i32
    return %c0_i32, %c0_i32_0 : i32, i32
  }
  func.func @transform_4(%arg0: i32) -> (i32, i32) {
    %c0_i32 = arith.constant 0 : i32
    %c0_i32_0 = arith.constant 0 : i32
    %c0_i32_1 = arith.constant 0 : i32
    return %c0_i32, %c0_i32_0 : i32, i32
  }
  func.func @transform_5(%arg0: i32) -> (i32, i32) {
    %c0_i32 = arith.constant 0 : i32
    %c0_i32_0 = arith.constant 0 : i32
    %c0_i32_1 = arith.constant 0 : i32
    return %c0_i32, %c0_i32_0 : i32, i32
  }
  func.func @transform_6(%arg0: i32) -> (i32, i32) {
    %c0_i32 = arith.constant 0 : i32
    %c0_i32_0 = arith.constant 0 : i32
    %c0_i32_1 = arith.constant 0 : i32
    return %c0_i32, %c0_i32_0 : i32, i32
  }
  func.func @transform_7(%arg0: i32) -> (i32, i32) {
    %c0_i32 = arith.constant 0 : i32
    %c0_i32_0 = arith.constant 0 : i32
    %c0_i32_1 = arith.constant 0 : i32
    return %c0_i32, %c0_i32_0 : i32, i32
  }
  func.func @transform_8(%arg0: i32) -> (i32, i32) {
    %c0_i32 = arith.constant 0 : i32
    %c0_i32_0 = arith.constant 0 : i32
    %c0_i32_1 = arith.constant 0 : i32
    return %c0_i32, %c0_i32_0 : i32, i32
  }
  func.func @transform_9(%arg0: i32) -> (i32, i32) {
    %c0_i32 = arith.constant 0 : i32
    %c0_i32_0 = arith.constant 0 : i32
    return %arg0, %c0_i32 : i32, i32
  }
  func.func @transform_10(%arg0: i32) -> (i32, i32) {
    %c0_i32 = arith.constant 0 : i32
    %c0_i32_0 = arith.constant 0 : i32
    return %arg0, %c0_i32 : i32, i32
  }
}

module attributes {stable_mosaic.version = 14 : i64} {
  func.func @_tc2_body(%arg0: i32, %arg1: memref<1000x64xf32, #tpu.memory_space<vmem>>, %arg2: memref<2x1000x64xf32, #tpu.memory_space<vmem>>, %arg3: memref<2x1000x16xf32, #tpu.memory_space<vmem>>, %arg4: memref<1000x64xf32, #tpu.memory_space<vmem>>) attributes {dimension_semantics = [#tpu.dimension_semantics<arbitrary>], iteration_bounds = array<i64: 10>, scalar_prefetch = 0 : i64, scratch_operands = 0 : i64, tpu.core_type = #tpu.core_type<tc>, window_params = [{transform_indices = @transform_0, window_bounds = array<i64: 1000, 64>}, {transform_indices = @transform_1, window_bounds = array<i64: 2, 1000, 64>}, {transform_indices = @transform_2, window_bounds = array<i64: 2, 1000, 16>}, {transform_indices = @transform_3, window_bounds = array<i64: 1000, 64>}]} {
    %get3A = arith.constant 0 : index
    %get3A_0 = arith.constant 0 : index
    %get3A_1 = arith.constant 0 : index
    %get3A_2 = vector.load %arg2[%get3A, %get3A_0, %get3A_1] : memref<2x1000x64xf32, #tpu.memory_space<vmem>>, vector<1x1000x64xf32>
    %get3A_3 = vector.shape_cast %get3A_2 : vector<1x1000x64xf32> to vector<1000x64xf32>
    %get3A_4 = arith.constant 1 : index
    %get3A_5 = arith.constant 0 : index
    %get3A_6 = arith.constant 0 : index
    %get3A_7 = vector.load %arg2[%get3A_4, %get3A_5, %get3A_6] : memref<2x1000x64xf32, #tpu.memory_space<vmem>>, vector<1x1000x64xf32>
    %get3A_8 = vector.shape_cast %get3A_7 : vector<1x1000x64xf32> to vector<1000x64xf32>
    %add3A = arith.addf %get3A_3, %get3A_8 : vector<1000x64xf32>
    %get3A_9 = arith.constant 0 : index
    %get3A_10 = arith.constant 0 : index
    %get3A_11 = arith.constant 0 : index
    %get3A_12 = vector.load %arg3[%get3A_9, %get3A_10, %get3A_11] : memref<2x1000x16xf32, #tpu.memory_space<vmem>>, vector<1x1000x1xf32>
    %get3A_13 = vector.shape_cast %get3A_12 : vector<1x1000x1xf32> to vector<1000x1xf32>
    %get3A_14 = arith.constant 0 : index
    %get3A_15 = arith.constant 0 : index
    %get3A_16 = vector.load %arg1[%get3A_14, %get3A_15] : memref<1000x64xf32, #tpu.memory_space<vmem>>, vector<1000x64xf32>
    %max3A = arith.constant 1.000000e+00 : f32
    %max3A_17 = vector.broadcast %max3A : f32 to vector<1000x1xf32>
    %max3A_18 = arith.maximumf %get3A_13, %max3A_17 : vector<1000x1xf32>
    %div3A = vector.broadcast %max3A_18 : vector<1000x1xf32> to vector<1000x64xf32>
    %div3A_19 = arith.divf %add3A, %div3A : vector<1000x64xf32>
    %add3A_20 = arith.addf %get3A_16, %div3A_19 : vector<1000x64xf32>
    %swap3A = arith.constant 0 : index
    %swap3A_21 = arith.constant 0 : index
    %swap3A_22 = vector.load %arg4[%swap3A, %swap3A_21] : memref<1000x64xf32, #tpu.memory_space<vmem>>, vector<1000x64xf32>
    tpu.vector_store %arg4[%swap3A, %swap3A_21], %add3A_20 {strides = array<i32>} : memref<1000x64xf32, #tpu.memory_space<vmem>>, vector<1000x64xf32>,
    return
  }
  func.func @transform_0(%arg0: i32) -> (i32, i32) {
    %c0_i32 = arith.constant 0 : i32
    %c0_i32_0 = arith.constant 0 : i32
    return %arg0, %c0_i32 : i32, i32
  }
  func.func @transform_1(%arg0: i32) -> (i32, i32, i32) {
    %c0_i32 = arith.constant 0 : i32
    %c0_i32_0 = arith.constant 0 : i32
    %c0_i32_1 = arith.constant 0 : i32
    return %c0_i32, %arg0, %c0_i32_0 : i32, i32, i32
  }
  func.func @transform_2(%arg0: i32) -> (i32, i32, i32) {
    %c0_i32 = arith.constant 0 : i32
    %c0_i32_0 = arith.constant 0 : i32
    %c0_i32_1 = arith.constant 0 : i32
    return %c0_i32, %arg0, %c0_i32_0 : i32, i32, i32
  }
  func.func @transform_3(%arg0: i32) -> (i32, i32) {
    %c0_i32 = arith.constant 0 : i32
    %c0_i32_0 = arith.constant 0 : i32
    return %arg0, %c0_i32 : i32, i32
  }
}

</mosaic_0001>

<sc_bundles>
// kernel: kernel.6.cloned.1.call-start
scs
__scs_entry_jumppad:
0x0: {  	(pc) =	sbr.rel $0x88, $3  }
0x1: {  	(tag) =	ssettag $0x0;
	lr =	simm.s32 $0x1  }
0x2: {  	[smem:$0x3F99] =	sst lr;
	_ =	strace $0xD0000000  }
0x3: {  	_ = 	snop  }
0x4: {  	_ = 	snop  }
0x5: {  	_ = 	snop  }
0x6: {  	_ = 	snop  }
0x7: {  	_ = 	snop  }
__scs_overlays_trampoline_lowered:
0x8: {  	[smem:$0x3FA8] =	sst s0  }
0x9: {  	[smem:$0x3FA9] =	sst s1  }
0xa: {  	[smem:$0x3FAA] =	sst s2  }
0xb: {  	[smem:$0x3FAB] =	sst s3  }
0xc: {  	[smem:$0x3FAC] =	sst s4  }
0xd: {  	[smem:$0x3FAD] =	sst s5  }
0xe: {  	[smem:$0x3FAE] =	sst s6  }
0xf: {  	[smem:$0x3FAF] =	sst s7  }
0x10: {  	[smem:$0x3FB0] =	sst s8  }
0x11: {  	[smem:$0x3FB1] =	sst s9;
	s0 =	simm.s32 @!p0 $0x0  }
0x12: {  	s1 =	sld [smem:$0x3F97];
	s0 =	simm.s32 @p0 $0x1  }
0x13: {  	[smem:$0x3FB2] =	sst s0;
	s0 =	simm.s32 @!p1 $0x0  }
0x14: {  	s2 =	sld [smem:$0x3F96];
	s0 =	simm.s32 @p1 $0x1  }
0x15: {  	[smem:$0x3FB3] =	sst s0;
	s0 =	simm.s32 @!p2 $0x0  }
0x16: {  	s3 =	sld [smem:$0x3FDB];
	s0 =	simm.s32 @p2 $0x1  }
0x17: {  	s4 =	simm.s32 $0x1BF5;
	[smem:$0x3FB5] =	sst s0  }
0x18: {  	s0 =	sld [smem:$0x3F98];
	_ =	swait.ge [sflag:s4], $0x0  }
0x19: {  	s7 =	sld [smem:$0x3F99]  }
0x1a: {  	s8 =	sadd.s32 $0xFFFFE003, lr  }
0x1b: {  	s9 =	sadd.s32 $0xFFFFFEF7, lr;
	s5 =	simm.s32 $0xFFFFFFFF;
	p2 =	slt.u32 s8, $0xFFFFF086  }
0x1c: {  	p1 =	slt.u32 s9, $0xF7A;
	s5 =	simm.s32 @!p2 $0x0  }
0x1d: {  	s5 =	simm.s32 @p1 $0x1;
	p0 =	seq.s32 s7, s2  }
0x1e: {  	s7 =	smul.u32 @!p0 $0xF7A, s2;
	p2 =	seq.s32 @!p0 s5, $0x0  }
0x1f: {  	s9 =	smul.u32 $0xF7A, s1;
	s8 =	simm.s32 @!p0 $0x1BF5;
	p2 =	por !p2, p0  }
0x20: {  	[sflag:s8] =	ssyncset.s32 @!p0 $0xFFFFF086;
	s6 =	sadd.s32 @!p0 s3, s7;
	s7 =	simm.s32 @!p0 $0x108  }
0x21: {  	s3 =	sadd.s32 s3, s9;
	s6 =	sadd.s32 @!p0 $0x88, s6;
	s7 =	simm.s32 @p2 $0x1082  }
0x22: {  	[simem:s7], [sflag:s8] =	dma.local @!p0 [hbm:s6], $0xF7A  }
0x23: {  	s9 =	sor.u32 $0xD0000000, s2;
	s6 =	simm.s32 $0x108;
	_ =	swait.ge @!p0 [sflag:s8], $0x0  }
0x24: {  	s3 =	sadd.s32 $0x88, s3;
	s6 =	simm.s32 @!p1 $0x1082;
	[sflag:s4] =	ssyncset.s32 $0xFFFFF086  }
0x25: {  	[simem:s6], [sflag:s4] =	dma.local [hbm:s3], $0xF7A  }
0x26: {  	[smem:$0x3F99] =	sst s1;
	(tag) =	ssettag s2;
	_ =	strace s9  }
0x27: {  	s1 =	sld [smem:$0x3FA9]  }
0x28: {  	s2 =	sld [smem:$0x3FAA]  }
0x29: {  	s4 =	sld [smem:$0x3FAC]  }
0x2a: {  	p0 =	seq.s32 s5, $0x0;
	s5 =	sld [smem:$0x3FAD]  }
0x2b: {  	s6 =	sld [smem:$0x3FAE]  }
0x2c: {  	s7 =	sld [smem:$0x3FAF]  }
0x2d: {  	s3 =	simm.s32 $0x108;
	s8 =	sld [smem:$0x3FB0]  }
0x2e: {  	s3 =	simm.s32 @!p0 $0x1082;
	s9 =	sld [smem:$0x3FB1]  }
0x2f: {  	lr =	sadd.s32 s0, s3;
	s0 =	sld [smem:$0x3FA8]  }
0x30: {  	s3 =	sld [smem:$0x3FAB]  }
0x31: {  	[smem:$0x3FB4] =	sst s10  }
0x32: {  	s10 =	sld [smem:$0x3FB2];
	_ =	sdelay $0x3  }
0x33: {  	p0 =	seq.s32 s10, $0x1;
	s10 =	sld [smem:$0x3FB4];
	_ =	sdelay $0x3  }
0x34: {  	[smem:$0x3FB4] =	sst s10  }
0x35: {  	s10 =	sld [smem:$0x3FB3];
	_ =	sdelay $0x3  }
0x36: {  	p1 =	seq.s32 s10, $0x1;
	s10 =	sld [smem:$0x3FB4];
	_ =	sdelay $0x3  }
0x37: {  	[smem:$0x3FB4] =	sst s10  }
0x38: {  	s10 =	sld [smem:$0x3FB5]  }
0x39: {  	_ = 	snop;
	(pc) =	sbr.ind lr, $3  }
0x3a: {  	_ = 	snop  }
0x3b: {  	_ = 	snop  }
0x3c: {  	p2 =	seq.s32 s10, $0x1;
	s10 =	sld [smem:$0x3FB4]  }
0x3d: {  	_ =	shalt  }
0x3e: {  	_ =	shalt  }
0x3f: {  	_ =	shalt  }
0x40: {  	_ =	shalt  }
0x41: {  	_ =	shalt  }
0x42: {  	_ =	shalt  }
0x43: {  	_ =	shalt  }
0x44: {  	_ =	shalt  }
0x45: {  	_ =	shalt  }
0x46: {  	_ =	shalt  }
0x47: {  	_ =	shalt  }
0x48: {  	_ =	shalt  }
0x49: {  	_ =	shalt  }
0x4a: {  	_ =	shalt  }
0x4b: {  	_ =	shalt  }
0x4c: {  	_ =	shalt  }
0x4d: {  	_ =	shalt  }
0x4e: {  	_ =	shalt  }
0x4f: {  	_ =	shalt  }
0x50: {  	_ =	shalt  }
0x51: {  	_ =	shalt  }
0x52: {  	_ =	shalt  }
0x53: {  	_ =	shalt  }
0x54: {  	_ =	shalt  }
0x55: {  	_ =	shalt  }
0x56: {  	_ =	shalt  }
0x57: {  	_ =	shalt  }
0x58: {  	_ =	shalt  }
0x59: {  	_ =	shalt  }
0x5a: {  	_ =	shalt  }
0x5b: {  	_ =	shalt  }
0x5c: {  	_ =	shalt  }
0x5d: {  	_ =	shalt  }
0x5e: {  	_ =	shalt  }
0x5f: {  	_ =	shalt  }
0x60: {  	_ =	shalt  }
0x61: {  	_ =	shalt  }
0x62: {  	_ =	shalt  }
0x63: {  	_ =	shalt  }
0x64: {  	_ =	shalt  }
0x65: {  	_ =	shalt  }
0x66: {  	_ =	shalt  }
0x67: {  	_ =	shalt  }
0x68: {  	_ =	shalt  }
0x69: {  	_ =	shalt  }
0x6a: {  	_ =	shalt  }
0x6b: {  	_ =	shalt  }
0x6c: {  	_ =	shalt  }
0x6d: {  	_ =	shalt  }
0x6e: {  	_ =	shalt  }
0x6f: {  	_ =	shalt  }
0x70: {  	_ =	shalt  }
0x71: {  	_ =	shalt  }
0x72: {  	_ =	shalt  }
0x73: {  	_ =	shalt  }
0x74: {  	_ =	shalt  }
0x75: {  	_ =	shalt  }
0x76: {  	_ =	shalt  }
0x77: {  	_ =	shalt  }
0x78: {  	_ =	shalt  }
0x79: {  	_ =	shalt  }
0x7a: {  	_ =	shalt  }
0x7b: {  	_ =	shalt  }
0x7c: {  	_ =	shalt  }
0x7d: {  	_ =	shalt  }
0x7e: {  	_ =	shalt  }
0x7f: {  	_ =	shalt  }
0x80: {  	_ =	shalt  }
0x81: {  	_ =	shalt  }
0x82: {  	_ =	shalt  }
0x83: {  	_ =	shalt  }
0x84: {  	_ =	shalt  }
0x85: {  	_ =	shalt  }
0x86: {  	_ =	shalt  }
0x87: {  	_ =	shalt  }
.Lfunc_end0:
.L_simem_size_0:
called_computation_lowered:
.L_overlay_start_0:
0x88: {  	s2 =	sld [smem:$0x3FD9]  }
0x89: {  	s3 =	sld [smem:$0x3FFE];
	_ =	sdelay $0x1  }
0x8a: {  	s1 =	srdreg.scid  }
0x8b: {  	s0 =	sand.u32 $0x1, s1  }
0x8c: {  	s17 =	sshll.u32 s0, $0xA;
	s2 =	sadd.s32 s3, s2  }
0x8d: {  	s2 =	sadd.s32 s2, s17  }
0x8e: {  	[smem:$0x3FC0] =	sst s2  }
0x8f: {  	_ = 	snop  }
0x90: {  	s2 =	sld [smem:$0x3FD0];
	(tm) =	ssettm $0x1  }
0x91: {  	s18 =	sld [smem:$0x3FFB];
	_ =	sdelay $0x3  }
0x92: {  	_ =	strace s18  }
0x93: {  	s3 =	sld [smem:$0x3FFC];
	_ =	sdelay $0x3  }
0x94: {  	_ =	strace s3  }
0x95: {  	s3 =	sld [smem:$0x3FFD];
	_ =	sdelay $0x3  }
0x96: {  	_ =	strace s3  }
0x97: {  	_ =	strace $0x8FFFFFFF  }
0x98: {  	s19 =	sld [smem:$0x3FDB];
	_ =	sdelay $0x1  }
0x99: {  	s4 =	simm.s32 $_scs_section_size  }
0x9a: {  	s5 =	simm.s32 $_size__tile_overlayer_lowered;
	s6 =	simm.s32 $_tile_overlayer_lowered  }
0x9b: {  	s22 =	simm.s32 $0x1BFF;
	s21 =	sshll.u32 s6, $0x1;
	s3 =	sadd.s32 s4, s19  }
0x9c: {  	s7 =	simm.s32 $0x0;
	s20 =	sshll.u32 s5, $0x1;
	s5 =	sadd.s32 s21, s3  }
0x9d: {  	[timem:s7], [sflag:s22] =	dma.local [hbm:s5], s20  }
0x9e: {  	_ =	swait.ge [sflag:s22], s20  }
0x9f: {  	s4 =	ssub.s32 $0x0, s20;
	[sflag:s22] =	ssyncset.done $0x0  }
0xa0: {  	[sflag:s22] =	ssyncadd.s32 s4;
	_ =	sdelay $0x1  }
0xa1: {  	s23 =	simm.s32 $0x1B8B  }
0xa2: {  	_ =	swait.ge [sflag:s23], $0x1  }
0xa3: {  	[sflag:s23] =	ssyncset.done $0x0  }
0xa4: {  	s25 =	simm.s32 $0x1B8E;
	s24 =	sld [smem:$0x3FFE];
	[sflag:s23] =	ssyncadd.s32 $0xFFFFFFFF  }
0xa5: {  	s26 =	simm.s32 $execute0_lowered;
	[smem:$0x3FD2] =	sst s25  }
0xa6: {  	s5 =	sshll.u32 s26, $0x1;
	_ =	strace $0x80000046;
	[dreg:$0x1] =	wrdreg $0xFFFFFFFF  }
0xa7: {  	s28 =	simm.s32 $_size_execute0_lowered;
	s3 =	sadd.s32 s3, s5;
	[dreg:$0x0] =	wrdreg $0x0  }
0xa8: {  	s5 =	sshll.u32 s28, $0x1;
	[dreg:$0x2] =	wrdreg s3  }
0xa9: {  	[dreg:$0x3] =	wrdreg s5  }
0xaa: {  	[dreg:$0x4] =	wrdreg $0xC0  }
0xab: {  	_ =	task [dreg:s7], $0x5FFFF  }
0xac: {  	[dreg:$0x1] =	wrdreg $0xFFFFFFFF  }
0xad: {  	[dreg:$0x0] =	wrdreg $0x60  }
0xae: {  	[dreg:$0x2] =	wrdreg s24  }
0xaf: {  	[dreg:$0x3] =	wrdreg s2  }
0xb0: {  	[dreg:$0x4] =	wrdreg $0xF0000  }
0xb1: {  	[dreg:$0x5] =	wrdreg $0x190000  }
0xb2: {  	[dreg:$0x6] =	wrdreg $0x9  }
0xb3: {  	_ =	task.clear_ibuf [dreg:s7], $0x7FFFF;
	_ =	strace $0x90000046  }
0xb4: {  	s29 =	simm.s32 $0x9;
	_ =	strace $0x80000048  }
0xb5: {  	_ =	swait.ge [sflag:s29], $0x1  }
0xb6: {  	[sflag:s29] =	ssyncadd.s32 $0xFFFFFFFF  }
0xb7: {  	_ =	strace $0x90000048  }
0xb8: {  	_ =	sfence  }
0xb9: {  	s30 =	sld [smem:$0x0];
	_ =	sdelay $0x2  }
0xba: {  	s31 =	sshll.u32 s1, $0xD;
	s1 =	sshrl.u32 s1, $0x2  }
0xbb: {  	s3 =	sand.u32 $0x4000, s31;
	s1 =	sadd.s32 s1, s30  }
0xbc: {  	s0 =	sor.u32 s3, s0;
	s1 =	sshll.u32 s1, $0x11  }
0xbd: {  	s0 =	sor.u32 s1, s0  }
0xbe: {  	s0 =	sadd.s32 $0x8F2B, s0  }
0xbf: {  	[sflag:s0] =	ssyncadd.remote.s32 $0x1  }
0xc0: {  	_ =	sfence.sel $0xFFFF  }
0xc1: {  	[dreg:$0x0] =	wrdreg $0xFFFFFFFF;
	(pc) =	sbr.abs _section_cstart, $3  }
0xc2: {  	[dreg:$0x1] =	wrdreg $0xFFFFFFFF  }
0xc3: {  	_ =	task.clear_ibuf [dreg:s7], $0x2FFFF;
	_ =	strace $0x9FFFFFFF  }
0xc4: {  	(tm) =	ssettm $0x7FFFFFFF  }
0xc5: {  	_ =	shalt  }
tec
execute0_lowered:
.L_overlay_start_1:
0x0: {  	(tag) =	ssettag $0x1  }
0x1: {  	s0 =	srdreg.scid;
	s18 =	stileid.u32  }
0x2: {  	s2 =	rddreg [dreg:$0x0];
	s3 =	sand.u32 $0x1, s0;
	s0 =	smul.u32 $0xA000, s18  }
0x3: {  	s5 =	rddreg [dreg:$0x1];
	s1 =	simm.s32 $0x0;
	s9 =	smul.u32 $0x280, s18  }
0x4: {  	[smem:$0x7FF] =	sst s1;
	s4 =	smul.u32 $0xA0000, s3  }
0x5: {  	s11 =	sadd.s32 $0x50C00, s2;
	s6 =	smul.u32 $0x50000, s3;
	s7 =	ssub.s32 $0x2, s3  }
0x6: {  	s8 =	sshrl.u32 s7, $0x1;
	s22 =	sadd.s32 $0x80, s9;
	s12 =	sadd.s32 $0x100, s9  }
0x7: {  	s13 =	sadd.s32 $0x180, s9;
	s9 =	sadd.s32 $0x200, s9;
	s10 =	sadd.s32 s4, s0  }
0x8: {  	s7 =	ssub.s32 s7, s8;
	s14 =	sshll.u32 s22, $0x6;
	s16 =	sshll.u32 s12, $0x6  }
0x9: {  	s26 =	sshll.u32 s13, $0x6;
	s29 =	sshll.u32 s9, $0x6;
	s8 =	sshll.u32 s22, $0x4  }
0xa: {  	s30 =	sshll.u32 s12, $0x4;
	s20 =	sshrl.u32 s10, $0x3;
	s10 =	smul.u32 $0x28000, s3  }
0xb: {  	s13 =	sshll.u32 s13, $0x4;
	s9 =	sshll.u32 s9, $0x4;
	s3 =	smul.u32 $0x2800, s18  }
0xc: {  	s17 =	sadd.s32 s4, s14;
	s25 =	sadd.s32 s4, s16;
	s21 =	sadd.s32 s11, s20  }
0xd: {  	s17 =	sshrl.u32 s17, $0x3;
	s19 =	sshrl.u32 s25, $0x3;
	s25 =	smul.u32 $0x5000, s18  }
0xe: {  	[dreg:$0x5] =	wrdreg s21;
	s15 =	sadd.s32 s10, s3;
	s23 =	sadd.s32 s11, s17  }
0xf: {  	s24 =	sadd.s32 s10, s8;
	s21 =	sadd.s32 s11, s19;
	[dreg:$0x7] =	wrdreg s23  }
0x10: {  	s20 =	sadd.s32 s10, s30;
	s15 =	sshrl.u32 s15, $0x3;
	[dreg:$0x9] =	wrdreg s21  }
0x11: {  	s22 =	sshrl.u32 s20, $0x3;
	s23 =	sadd.s32 s4, s26;
	s4 =	sadd.s32 s4, s29  }
0x12: {  	s17 =	sadd.s32 s25, s6;
	s19 =	sshrl.u32 s25, $0x3;
	s20 =	smul.u32 $0x28000, s18  }
0x13: {  	s25 =	sshrl.u32 s0, $0x2;
	s6 =	sshrl.u32 s26, $0x2;
	s15 =	sadd.s32 s5, s15  }
0x14: {  	s4 =	sshrl.u32 s4, $0x3;
	[dreg:$0x6] =	wrdreg s15;
	s15 =	sshrl.u32 s24, $0x3  }
0x15: {  	s4 =	sadd.s32 s11, s4;
	s24 =	sadd.s32 s10, s13;
	s10 =	sadd.s32 s10, s9  }
0x16: {  	s12 =	sadd.s32 s5, s15;
	[dreg:$0xc] =	wrdreg s4;
	s4 =	sshrl.u32 s24, $0x3  }
0x17: {  	s10 =	sshrl.u32 s10, $0x3;
	[dreg:$0x8] =	wrdreg s12;
	s12 =	sadd.s32 s5, s22  }
0x18: {  	s15 =	sadd.s32 $0xBA00, s2;
	s4 =	sadd.s32 s5, s4;
	[dreg:$0xa] =	wrdreg s12  }
0x19: {  	s24 =	smax.u32 s7, $0x1;
	s12 =	sshrl.u32 s23, $0x3;
	[dreg:$0xd] =	wrdreg s4  }
0x1a: {  	s4 =	sadd.s32 s5, s10;
	s12 =	sadd.s32 s11, s12;
	s11 =	rddreg [dreg:$0x2]  }
0x1b: {  	s7 =	sshrl.u32 s29, $0x2;
	s5 =	sadd.s32 s19, s2;
	[dreg:$0xe] =	wrdreg s4  }
0x1c: {  	s23 =	sshrl.u32 s20, $0x2;
	s4 =	sshrl.u32 s17, $0x3;
	[dreg:$0xb] =	wrdreg s12  }
0x1d: {  	s22 =	sadd.s32 $0x32C00, s5;
	s5 =	sshrl.u32 s16, $0x2;
	s12 =	rddreg [dreg:$0x3]  }
0x1e: {  	s4 =	sadd.s32 s4, s2;
	s19 =	sadd.s32 s23, s11;
	s23 =	sadd.s32 s16, s11  }
0x1f: {  	s28 =	sadd.s32 s29, s11;
	_ =	strace $0x80000047;
	[dreg:$0x10] =	wrdreg s22  }
0x20: {  	s0 =	sadd.s32 s0, s11;
	s21 =	sadd.s32 $0x3CC00, s4;
	[dreg:$0x11] =	wrdreg s24  }
0x21: {  	s20 =	sadd.s32 s25, s12;
	s4 =	sshrl.u32 s14, $0x2;
	s24 =	sadd.s32 s5, s12  }
0x22: {  	s25 =	sadd.s32 s26, s11;
	s26 =	sadd.s32 s6, s12;
	s29 =	sadd.s32 s7, s12  }
0x23: {  	s10 =	sadd.s32 s3, s12;
	s16 =	sadd.s32 s30, s12;
	s17 =	sadd.s32 s13, s12  }
0x24: {  	s18 =	sadd.s32 s9, s12;
	s30 =	sshrl.u32 s0, $0x3;
	s5 =	simm.s32 $0x2  }
0x25: {  	s6 =	simm.s32 $0xE800;
	s7 =	simm.s32 $0x80;
	s9 =	simm.s32 $0x1  }
0x26: {  	s13 =	simm.s32 $0xE000;
	[dreg:$0xf] =	wrdreg s21;
	s21 =	sadd.s32 s14, s11  }
0x27: {  	s22 =	sadd.s32 s4, s12;
	s14 =	sadd.s32 s8, s12;
	s31 =	sshrl.u32 s10, $0x3  }
0x28: {  	s0 =	sshrl.u32 s16, $0x3;
	s2 =	sshrl.u32 s17, $0x3;
	s3 =	sshrl.u32 s18, $0x3  }
0x29: {  	v0 =	vimm.f32 $0.0e+00;
	v1 =	vimm.f32 $1.000000000e+00;
	s4 =	simm.s32 $0xC000;
	s8 =	simm.s32 $0xA000;
	s10 =	sshrl.u32 s14, $0x3  }
.LBB2_1:
0x2a: {  	s16 =	simm.s32 $0x100;
	s14 =	simm.s32 $0x0  }
.LBB2_2:
0x2b: {  	p0 =	sne.s32 s16, $0x7F00;
	[tilespmem:s14+$0xC030] =	vst v0;
	s17 =	smov.u32 s16;
	s16 =	sadd.s32 $0x100, s16  }
.Ltmp0:
0x2c: {  	[tilespmem:s14+$0xC020] =	vst v0;
	(pc) =	sbr.rel @p0 .LBB2_2-.Ltmp0, $3  }
0x2d: {  	[tilespmem:s14+$0xC000] =	vst v0  }
0x2e: {  	[tilespmem:s14+$0xC010] =	vst v0;
	_ =	sdelay $0x1  }
0x2f: {  	s14 =	sshra.s32 s17, $0x2  }
0x30: {  	[tilespmem:s14+$0xC030] =	vst v0  }
0x31: {  	[tilespmem:s14+$0xC020] =	vst v0  }
0x32: {  	[tilespmem:s14+$0xC000] =	vst v0  }
0x33: {  	[tilespmem:s14+$0xC010] =	vst v0;
	s14 =	simm.s32 $0x40;
	s16 =	simm.s32 $0x0  }
.LBB2_4:
0x34: {  	p0 =	sne.s32 s14, $0x1FC0;
	[tilespmem:s16+$0xE800] =	vst v0;
	s16 =	smov.u32 s14;
	s14 =	sadd.s32 $0x40, s14  }
.Ltmp1:
0x35: {  	(pc) =	sbr.rel @p0 .LBB2_4-.Ltmp1, $2  }
0x36: {  	_ =	sdelay $0x2  }
0x37: {  	s16 =	sshra.s32 s16, $0x2  }
0x38: {  	[tilespmem:s16+$0xE800] =	vst v0;
	s14 =	simm.s32 $0x40;
	s16 =	simm.s32 $0x0  }
.LBB2_6:
0x39: {  	p0 =	sne.s32 s14, $0x1FC0;
	[tilespmem:s16+$0xE000] =	vst v1;
	s16 =	smov.u32 s14;
	s14 =	sadd.s32 $0x40, s14  }
.Ltmp2:
0x3a: {  	(pc) =	sbr.rel @p0 .LBB2_6-.Ltmp2, $2  }
0x3b: {  	_ =	sdelay $0x2  }
0x3c: {  	s16 =	sshra.s32 s16, $0x2  }
0x3d: {  	[tilespmem:s16+$0xE000] =	vst v1  }
0x3e: {  	[spmem:s19] =	stream.linear.scatter [tilespmem:s4], [sflag:$0x2], $0x2000, $0x38;
	[tilespmem:$0x1B800] =	vst v63  }
0x3f: {  	_ =	swait.ge [sflag:s5], $0x2000  }
0x40: {  	[sflag:s5] =	ssyncset.done $0x0  }
0x41: {  	[sflag:s5] =	ssyncadd.s32 $0xFFFFE000  }
0x42: {  	[spmem:s20] =	stream.linear.scatter [tilespmem:s6], [sflag:$0x2], $0x800, $0x38;
	[tilespmem:$0x1B800] =	vst v63  }
0x43: {  	_ =	swait.ge [sflag:s5], $0x800  }
0x44: {  	[sflag:s5] =	ssyncset.done $0x0  }
0x45: {  	[sflag:s5] =	ssyncadd.s32 $0xFFFFF800  }
0x46: {  	[spmem:s21] =	stream.linear.scatter [tilespmem:s4], [sflag:$0x2], $0x2000, $0x38;
	[tilespmem:$0x1B800] =	vst v63  }
0x47: {  	_ =	swait.ge [sflag:s5], $0x2000  }
0x48: {  	[sflag:s5] =	ssyncset.done $0x0  }
0x49: {  	[sflag:s5] =	ssyncadd.s32 $0xFFFFE000  }
0x4a: {  	[spmem:s22] =	stream.linear.scatter [tilespmem:s6], [sflag:$0x2], $0x800, $0x38;
	[tilespmem:$0x1B800] =	vst v63  }
0x4b: {  	_ =	swait.ge [sflag:s5], $0x800  }
0x4c: {  	[sflag:s5] =	ssyncset.done $0x0  }
0x4d: {  	[sflag:s5] =	ssyncadd.s32 $0xFFFFF800  }
0x4e: {  	[spmem:s23] =	stream.linear.scatter [tilespmem:s4], [sflag:$0x2], $0x2000, $0x38;
	[tilespmem:$0x1B800] =	vst v63  }
0x4f: {  	_ =	swait.ge [sflag:s5], $0x2000  }
0x50: {  	[sflag:s5] =	ssyncset.done $0x0  }
0x51: {  	[sflag:s5] =	ssyncadd.s32 $0xFFFFE000  }
0x52: {  	[spmem:s24] =	stream.linear.scatter [tilespmem:s6], [sflag:$0x2], $0x800, $0x38;
	[tilespmem:$0x1B800] =	vst v63  }
0x53: {  	_ =	swait.ge [sflag:s5], $0x800  }
0x54: {  	[sflag:s5] =	ssyncset.done $0x0  }
0x55: {  	[sflag:s5] =	ssyncadd.s32 $0xFFFFF800  }
0x56: {  	[spmem:s25] =	stream.linear.scatter [tilespmem:s4], [sflag:$0x2], $0x2000, $0x38;
	[tilespmem:$0x1B800] =	vst v63  }
0x57: {  	_ =	swait.ge [sflag:s5], $0x2000  }
0x58: {  	[sflag:s5] =	ssyncset.done $0x0  }
0x59: {  	[sflag:s5] =	ssyncadd.s32 $0xFFFFE000  }
0x5a: {  	[spmem:s26] =	stream.linear.scatter [tilespmem:s6], [sflag:$0x2], $0x800, $0x38;
	[tilespmem:$0x1B800] =	vst v63  }
0x5b: {  	_ =	swait.ge [sflag:s5], $0x800  }
0x5c: {  	[sflag:s5] =	ssyncset.done $0x0  }
0x5d: {  	[sflag:s5] =	ssyncadd.s32 $0xFFFFF800  }
0x5e: {  	[spmem:s28] =	stream.linear.scatter [tilespmem:s4], [sflag:$0x2], $0x2000, $0x38;
	[tilespmem:$0x1B800] =	vst v63  }
0x5f: {  	_ =	swait.ge [sflag:s5], $0x2000  }
0x60: {  	[sflag:s5] =	ssyncset.done $0x0  }
0x61: {  	[sflag:s5] =	ssyncadd.s32 $0xFFFFE000  }
0x62: {  	[spmem:s29] =	stream.linear.scatter [tilespmem:s6], [sflag:$0x2], $0x800, $0x38;
	[tilespmem:$0x1B800] =	vst v63  }
0x63: {  	_ =	swait.ge [sflag:s5], $0x800  }
0x64: {  	[sflag:s5] =	ssyncset.done $0x0  }
0x65: {  	[sflag:s5] =	ssyncadd.s32 $0xFFFFF800  }
0x66: {  	[bflag:$0x0] =	sbarrier.arrive $0xFFFF  }
0x67: {  	s14 =	simm.s32 $0x0;
	s17 =	rddreg [dreg:$0xf]  }
0x68: {  	[tilespmem:s14], [sflag:$0x2] =	stream.linear.gather [hbm4b:s17+s14], $0x5000, $0x38;
	[tilespmem:$0x1B800] =	vst v63  }
0x69: {  	_ =	swait.ge [sflag:s5], $0x5000  }
0x6a: {  	[sflag:s5] =	ssyncset.done $0x0  }
0x6b: {  	s17 =	simm.s32 $0x5000;
	s18 =	rddreg [dreg:$0x10];
	[sflag:s5] =	ssyncadd.s32 $0xFFFFB000  }
0x6c: {  	[tilespmem:s17], [sflag:$0x2] =	stream.linear.gather [hbm4b:s18+s14], $0x5000, $0x38;
	[tilespmem:$0x1B800] =	vst v63  }
0x6d: {  	_ =	swait.ge [sflag:s5], $0x5000  }
0x6e: {  	[sflag:s5] =	ssyncset.done $0x0  }
0x6f: {  	s17 =	simm.s32 $0x0;
	[sflag:s5] =	ssyncadd.s32 $0xFFFFB000  }
0x70: {  	[tilespmem:s8], [sflag:$0x1] =	stream.indirect.gather [hbm4b:s15+s7], $0x40, s17, s7, $0xb8;
	[tilespmem:$0x1B800] =	vst v63  }
0x71: {  	_ =	swait.ge [sflag:s9], $0x2000  }
0x72: {  	[sflag:s9] =	ssyncset.done $0x0  }
0x73: {  	s18 =	simm.s32 $0x5000;
	[sflag:s9] =	ssyncadd.s32 $0xFFFFE000  }
0x74: {  	[spmem:s11] =	stream.indirect.scatter.add.f32 [tilespmem:s8], [sflag:$0x2], $0x40, s18, s7, $0xb8;
	[tilespmem:$0x1B800] =	vst v63  }
0x75: {  	_ =	swait.ge [sflag:s5], $0x2000  }
0x76: {  	[sflag:s5] =	ssyncset.done $0x0  }
0x77: {  	[sflag:s5] =	ssyncadd.s32 $0xFFFFE000  }
0x78: {  	[spmem:s12] =	stream.indirect.scatter.add.f32 [tilespmem:s13], [sflag:$0x2], $0x10, s18, s7, $0xb8;
	[tilespmem:$0x1B800] =	vst v63  }
0x79: {  	_ =	swait.ge [sflag:s5], $0x800  }
0x7a: {  	s16 =	simm.s32 $0x400;
	s14 =	simm.s32 $0x200;
	[sflag:s5] =	ssyncset.done $0x0  }
.LBB2_8:
0x7b: {  	s17 =	sshra.s32 s14, $0x2  }
0x7c: {  	[sflag:s5] =	ssyncadd.s32 $0xFFFFF800;
	s14 =	smov.u32 s16;
	s18 =	sadd.s32 $0x200, s16  }
0x7d: {  	[tilespmem:s8], [sflag:$0x1] =	stream.indirect.gather [hbm4b:s15+s7], $0x40, s17, s7, $0xb8;
	[tilespmem:$0x1B800] =	vst v63  }
0x7e: {  	p0 =	sne.s32 s16, $0x13E00;
	_ =	swait.ge [sflag:s9], $0x2000  }
0x7f: {  	[sflag:s9] =	ssyncset.done $0x0  }
0x80: {  	s16 =	sadd.s32 $0x5000, s17;
	[sflag:s9] =	ssyncadd.s32 $0xFFFFE000  }
0x81: {  	[spmem:s11] =	stream.indirect.scatter.add.f32 [tilespmem:s8], [sflag:$0x2], $0x40, s16, s7, $0xb8;
	[tilespmem:$0x1B800] =	vst v63  }
0x82: {  	_ =	swait.ge [sflag:s5], $0x2000  }
.Ltmp3:
0x83: {  	[sflag:s5] =	ssyncset.done $0x0;
	(pc) =	sbr.rel @p0 .LBB2_8-.Ltmp3, $4  }
0x84: {  	[sflag:s5] =	ssyncadd.s32 $0xFFFFE000  }
0x85: {  	[spmem:s12] =	stream.indirect.scatter.add.f32 [tilespmem:s13], [sflag:$0x2], $0x10, s16, s7, $0xb8;
	[tilespmem:$0x1B800] =	vst v63  }
0x86: {  	_ =	swait.ge [sflag:s5], $0x800  }
0x87: {  	s16 =	smov.u32 s18;
	[sflag:s5] =	ssyncset.done $0x0  }
0x88: {  	s14 =	sshra.s32 s14, $0x2;
	[sflag:s5] =	ssyncadd.s32 $0xFFFFF800  }
0x89: {  	[tilespmem:s8], [sflag:$0x1] =	stream.indirect.gather [hbm4b:s15+s7], $0x40, s14, s7, $0xb8;
	[tilespmem:$0x1B800] =	vst v63  }
0x8a: {  	_ =	swait.ge [sflag:s9], $0x2000  }
0x8b: {  	[sflag:s9] =	ssyncset.done $0x0  }
0x8c: {  	s14 =	sadd.s32 $0x5000, s14;
	[sflag:s9] =	ssyncadd.s32 $0xFFFFE000  }
0x8d: {  	[spmem:s11] =	stream.indirect.scatter.add.f32 [tilespmem:s8], [sflag:$0x2], $0x40, s14, s7, $0xb8;
	[tilespmem:$0x1B800] =	vst v63  }
0x8e: {  	_ =	swait.ge [sflag:s5], $0x2000  }
0x8f: {  	[sflag:s5] =	ssyncset.done $0x0  }
0x90: {  	[sflag:s5] =	ssyncadd.s32 $0xFFFFE000  }
0x91: {  	[spmem:s12] =	stream.indirect.scatter.add.f32 [tilespmem:s13], [sflag:$0x2], $0x10, s14, s7, $0xb8;
	[tilespmem:$0x1B800] =	vst v63  }
0x92: {  	_ =	swait.ge [sflag:s5], $0x800  }
0x93: {  	[sflag:s5] =	ssyncset.done $0x0  }
0x94: {  	s16 =	stileid.u32;
	[sflag:s5] =	ssyncadd.s32 $0xFFFFF800  }
0x95: {  	s14 =	sshll.u32 s16, $0x6;
	[bflag:$0x0] =	sbarrier.arrive $0xFFFF  }
0x96: {  	s14 =	sor.u32 $0x1C02, s14;
	s16 =	rddreg [dreg:$0x5]  }
0x97: {  	[hbm:s16], [sflag:s14] =	dma.local [spmem:s30], $0x400  }
0x98: {  	_ =	swait.ge [sflag:s5], $0x400  }
0x99: {  	[sflag:s5] =	ssyncset.done $0x0  }
0x9a: {  	s17 =	rddreg [dreg:$0x6];
	[sflag:s5] =	ssyncadd.s32 $0xFFFFFC00  }
0x9b: {  	[hbm:s17], [sflag:s14] =	dma.local [spmem:s31], $0x100  }
0x9c: {  	_ =	swait.ge [sflag:s5], $0x100  }
0x9d: {  	[sflag:s5] =	ssyncset.done $0x0  }
0x9e: {  	s18 =	sshrl.u32 s21, $0x3;
	s17 =	rddreg [dreg:$0x7];
	[sflag:s5] =	ssyncadd.s32 $0xFFFFFF00  }
0x9f: {  	[hbm:s17], [sflag:s14] =	dma.local [spmem:s18], $0x400  }
0xa0: {  	_ =	swait.ge [sflag:s5], $0x400  }
0xa1: {  	[sflag:s5] =	ssyncset.done $0x0  }
0xa2: {  	s18 =	rddreg [dreg:$0x8];
	[sflag:s5] =	ssyncadd.s32 $0xFFFFFC00  }
0xa3: {  	[hbm:s18], [sflag:s14] =	dma.local [spmem:s10], $0x100  }
0xa4: {  	_ =	swait.ge [sflag:s5], $0x100  }
0xa5: {  	[sflag:s5] =	ssyncset.done $0x0  }
0xa6: {  	s17 =	sshrl.u32 s23, $0x3;
	s18 =	rddreg [dreg:$0x9];
	[sflag:s5] =	ssyncadd.s32 $0xFFFFFF00  }
0xa7: {  	[hbm:s18], [sflag:s14] =	dma.local [spmem:s17], $0x400  }
0xa8: {  	_ =	swait.ge [sflag:s5], $0x400  }
0xa9: {  	[sflag:s5] =	ssyncset.done $0x0  }
0xaa: {  	s18 =	rddreg [dreg:$0xa];
	[sflag:s5] =	ssyncadd.s32 $0xFFFFFC00  }
0xab: {  	[hbm:s18], [sflag:s14] =	dma.local [spmem:s0], $0x100  }
0xac: {  	_ =	swait.ge [sflag:s5], $0x100  }
0xad: {  	[sflag:s5] =	ssyncset.done $0x0  }
0xae: {  	s17 =	sshrl.u32 s25, $0x3;
	s18 =	rddreg [dreg:$0xb];
	[sflag:s5] =	ssyncadd.s32 $0xFFFFFF00  }
0xaf: {  	[hbm:s18], [sflag:s14] =	dma.local [spmem:s17], $0x400  }
0xb0: {  	_ =	swait.ge [sflag:s5], $0x400  }
0xb1: {  	[sflag:s5] =	ssyncset.done $0x0  }
0xb2: {  	s18 =	rddreg [dreg:$0xd];
	[sflag:s5] =	ssyncadd.s32 $0xFFFFFC00  }
0xb3: {  	[hbm:s18], [sflag:s14] =	dma.local [spmem:s2], $0x100  }
0xb4: {  	_ =	swait.ge [sflag:s5], $0x100  }
0xb5: {  	[sflag:s5] =	ssyncset.done $0x0  }
0xb6: {  	s17 =	sshrl.u32 s28, $0x3;
	s18 =	rddreg [dreg:$0xc];
	[sflag:s5] =	ssyncadd.s32 $0xFFFFFF00  }
0xb7: {  	[hbm:s18], [sflag:s14] =	dma.local [spmem:s17], $0x400  }
0xb8: {  	_ =	swait.ge [sflag:s5], $0x400  }
0xb9: {  	[sflag:s5] =	ssyncset.done $0x0  }
0xba: {  	s17 =	rddreg [dreg:$0xe];
	[sflag:s5] =	ssyncadd.s32 $0xFFFFFC00  }
0xbb: {  	[hbm:s17], [sflag:s14] =	dma.local [spmem:s3], $0x100  }
0xbc: {  	_ =	swait.ge [sflag:s5], $0x100  }
0xbd: {  	s1 =	sadd.s32 $0x1, s1;
	s18 =	rddreg [dreg:$0x11]  }
0xbe: {  	p0 =	sne.s32 s1, s18  }
.Ltmp4:
0xbf: {  	_ = 	snop;
	(pc) =	sbr.rel @p0 .LBB2_1-.Ltmp4, $3  }
0xc0: {  	_ =	sdelay $0x1  }
0xc1: {  	[sflag:s5] =	ssyncset.done $0x0  }
0xc2: {  	[sflag:s5] =	ssyncadd.s32 $0xFFFFFF00  }
0xc3: {  	_ =	sfence.sel $0x180000  }
0xc4: {  	[bflag:$0x0] =	sbarrier.arrive $0xFFFF  }
0xc5: {  	_ =	strace $0x90000047  }
0xc6: {  	s0 =	stileid.u32;
	[bflag:$0x2] =	sbarrier.arrive $0xFFFF  }
0xc7: {  	p0 =	sne.s32 s0, $0x0;
	s0 =	rddreg [dreg:$0x4]  }
0xc8: {  	s0 =	sadd.s32 @!p0 $0x100000, s0  }
0xc9: {  	[sflag:s0] =	ssyncadd.tile.s32 @!p0 $0x1;
	_ =	shalt  }
.Lfunc_end2:
_tile_overlayer_lowered:
.L_overlay_start_2:
0xca: {  	(tag) =	ssettag $0x2  }
0xcb: {  	s0 =	rddreg [dreg:$0x0];
	s2 =	stileid.u32  }
0xcc: {  	s1 =	rddreg [dreg:$0x1];
	p0 =	sne.s32 s2, $0x0  }
0xcd: {  	s3 =	rddreg [dreg:$0x2];
	[bflag:$0x3] =	sbarrier.arrive $0xFFFF;
	s2 =	simm.s32 @!p0 $0x1C02  }
0xce: {  	[timem:s3], [sflag:s2] =	dma.local @!p0 [hbm:s0], s1  }
0xcf: {  	s0 =	simm.s32 @!p0 $0x2  }
0xd0: {  	_ =	swait.ge @!p0 [sflag:s0], s1  }
0xd1: {  	s1 =	ssub.s32 @!p0 $0x0, s1;
	[sflag:s0] =	ssyncset.done @!p0 $0x0  }
0xd2: {  	[sflag:s0] =	ssyncadd.s32 @!p0 s1  }
0xd3: {  	[bflag:$0x3] =	sbarrier.arrive $0xFFFF  }
0xd4: {  	_ =	shalt  }

// kernel: kernel.9.cloned.1.call-start
scs
__scs_entry_jumppad:
0x0: {  	(pc) =	sbr.rel $0x88, $3  }
0x1: {  	(tag) =	ssettag $0x0;
	lr =	simm.s32 $0x1  }
0x2: {  	[smem:$0x3F99] =	sst lr;
	_ =	strace $0xD0000000  }
0x3: {  	_ = 	snop  }
0x4: {  	_ = 	snop  }
0x5: {  	_ = 	snop  }
0x6: {  	_ = 	snop  }
0x7: {  	_ = 	snop  }
__scs_overlays_trampoline_lowered:
0x8: {  	[smem:$0x3FA8] =	sst s0  }
0x9: {  	[smem:$0x3FA9] =	sst s1  }
0xa: {  	[smem:$0x3FAA] =	sst s2  }
0xb: {  	[smem:$0x3FAB] =	sst s3  }
0xc: {  	[smem:$0x3FAC] =	sst s4  }
0xd: {  	[smem:$0x3FAD] =	sst s5  }
0xe: {  	[smem:$0x3FAE] =	sst s6  }
0xf: {  	[smem:$0x3FAF] =	sst s7  }
0x10: {  	[smem:$0x3FB0] =	sst s8  }
0x11: {  	[smem:$0x3FB1] =	sst s9;
	s0 =	simm.s32 @!p0 $0x0  }
0x12: {  	s1 =	sld [smem:$0x3F97];
	s0 =	simm.s32 @p0 $0x1  }
0x13: {  	[smem:$0x3FB2] =	sst s0;
	s0 =	simm.s32 @!p1 $0x0  }
0x14: {  	s2 =	sld [smem:$0x3F96];
	s0 =	simm.s32 @p1 $0x1  }
0x15: {  	[smem:$0x3FB3] =	sst s0;
	s0 =	simm.s32 @!p2 $0x0  }
0x16: {  	s3 =	sld [smem:$0x3FDB];
	s0 =	simm.s32 @p2 $0x1  }
0x17: {  	s4 =	simm.s32 $0x1BF5;
	[smem:$0x3FB5] =	sst s0  }
0x18: {  	s0 =	sld [smem:$0x3F98];
	_ =	swait.ge [sflag:s4], $0x0  }
0x19: {  	s7 =	sld [smem:$0x3F99]  }
0x1a: {  	s8 =	sadd.s32 $0xFFFFE003, lr  }
0x1b: {  	s9 =	sadd.s32 $0xFFFFFEF7, lr;
	s5 =	simm.s32 $0xFFFFFFFF;
	p2 =	slt.u32 s8, $0xFFFFF086  }
0x1c: {  	p1 =	slt.u32 s9, $0xF7A;
	s5 =	simm.s32 @!p2 $0x0  }
0x1d: {  	s5 =	simm.s32 @p1 $0x1;
	p0 =	seq.s32 s7, s2  }
0x1e: {  	s7 =	smul.u32 @!p0 $0xF7A, s2;
	p2 =	seq.s32 @!p0 s5, $0x0  }
0x1f: {  	s9 =	smul.u32 $0xF7A, s1;
	s8 =	simm.s32 @!p0 $0x1BF5;
	p2 =	por !p2, p0  }
0x20: {  	[sflag:s8] =	ssyncset.s32 @!p0 $0xFFFFF086;
	s6 =	sadd.s32 @!p0 s3, s7;
	s7 =	simm.s32 @!p0 $0x108  }
0x21: {  	s3 =	sadd.s32 s3, s9;
	s6 =	sadd.s32 @!p0 $0x88, s6;
	s7 =	simm.s32 @p2 $0x1082  }
0x22: {  	[simem:s7], [sflag:s8] =	dma.local @!p0 [hbm:s6], $0xF7A  }
0x23: {  	s9 =	sor.u32 $0xD0000000, s2;
	s6 =	simm.s32 $0x108;
	_ =	swait.ge @!p0 [sflag:s8], $0x0  }
0x24: {  	s3 =	sadd.s32 $0x88, s3;
	s6 =	simm.s32 @!p1 $0x1082;
	[sflag:s4] =	ssyncset.s32 $0xFFFFF086  }
0x25: {  	[simem:s6], [sflag:s4] =	dma.local [hbm:s3], $0xF7A  }
0x26: {  	[smem:$0x3F99] =	sst s1;
	(tag) =	ssettag s2;
	_ =	strace s9  }
0x27: {  	s1 =	sld [smem:$0x3FA9]  }
0x28: {  	s2 =	sld [smem:$0x3FAA]  }
0x29: {  	s4 =	sld [smem:$0x3FAC]  }
0x2a: {  	p0 =	seq.s32 s5, $0x0;
	s5 =	sld [smem:$0x3FAD]  }
0x2b: {  	s6 =	sld [smem:$0x3FAE]  }
0x2c: {  	s7 =	sld [smem:$0x3FAF]  }
0x2d: {  	s3 =	simm.s32 $0x108;
	s8 =	sld [smem:$0x3FB0]  }
0x2e: {  	s3 =	simm.s32 @!p0 $0x1082;
	s9 =	sld [smem:$0x3FB1]  }
0x2f: {  	lr =	sadd.s32 s0, s3;
	s0 =	sld [smem:$0x3FA8]  }
0x30: {  	s3 =	sld [smem:$0x3FAB]  }
0x31: {  	[smem:$0x3FB4] =	sst s10  }
0x32: {  	s10 =	sld [smem:$0x3FB2];
	_ =	sdelay $0x3  }
0x33: {  	p0 =	seq.s32 s10, $0x1;
	s10 =	sld [smem:$0x3FB4];
	_ =	sdelay $0x3  }
0x34: {  	[smem:$0x3FB4] =	sst s10  }
0x35: {  	s10 =	sld [smem:$0x3FB3];
	_ =	sdelay $0x3  }
0x36: {  	p1 =	seq.s32 s10, $0x1;
	s10 =	sld [smem:$0x3FB4];
	_ =	sdelay $0x3  }
0x37: {  	[smem:$0x3FB4] =	sst s10  }
0x38: {  	s10 =	sld [smem:$0x3FB5]  }
0x39: {  	_ = 	snop;
	(pc) =	sbr.ind lr, $3  }
0x3a: {  	_ = 	snop  }
0x3b: {  	_ = 	snop  }
0x3c: {  	p2 =	seq.s32 s10, $0x1;
	s10 =	sld [smem:$0x3FB4]  }
0x3d: {  	_ =	shalt  }
0x3e: {  	_ =	shalt  }
0x3f: {  	_ =	shalt  }
0x40: {  	_ =	shalt  }
0x41: {  	_ =	shalt  }
0x42: {  	_ =	shalt  }
0x43: {  	_ =	shalt  }
0x44: {  	_ =	shalt  }
0x45: {  	_ =	shalt  }
0x46: {  	_ =	shalt  }
0x47: {  	_ =	shalt  }
0x48: {  	_ =	shalt  }
0x49: {  	_ =	shalt  }
0x4a: {  	_ =	shalt  }
0x4b: {  	_ =	shalt  }
0x4c: {  	_ =	shalt  }
0x4d: {  	_ =	shalt  }
0x4e: {  	_ =	shalt  }
0x4f: {  	_ =	shalt  }
0x50: {  	_ =	shalt  }
0x51: {  	_ =	shalt  }
0x52: {  	_ =	shalt  }
0x53: {  	_ =	shalt  }
0x54: {  	_ =	shalt  }
0x55: {  	_ =	shalt  }
0x56: {  	_ =	shalt  }
0x57: {  	_ =	shalt  }
0x58: {  	_ =	shalt  }
0x59: {  	_ =	shalt  }
0x5a: {  	_ =	shalt  }
0x5b: {  	_ =	shalt  }
0x5c: {  	_ =	shalt  }
0x5d: {  	_ =	shalt  }
0x5e: {  	_ =	shalt  }
0x5f: {  	_ =	shalt  }
0x60: {  	_ =	shalt  }
0x61: {  	_ =	shalt  }
0x62: {  	_ =	shalt  }
0x63: {  	_ =	shalt  }
0x64: {  	_ =	shalt  }
0x65: {  	_ =	shalt  }
0x66: {  	_ =	shalt  }
0x67: {  	_ =	shalt  }
0x68: {  	_ =	shalt  }
0x69: {  	_ =	shalt  }
0x6a: {  	_ =	shalt  }
0x6b: {  	_ =	shalt  }
0x6c: {  	_ =	shalt  }
0x6d: {  	_ =	shalt  }
0x6e: {  	_ =	shalt  }
0x6f: {  	_ =	shalt  }
0x70: {  	_ =	shalt  }
0x71: {  	_ =	shalt  }
0x72: {  	_ =	shalt  }
0x73: {  	_ =	shalt  }
0x74: {  	_ =	shalt  }
0x75: {  	_ =	shalt  }
0x76: {  	_ =	shalt  }
0x77: {  	_ =	shalt  }
0x78: {  	_ =	shalt  }
0x79: {  	_ =	shalt  }
0x7a: {  	_ =	shalt  }
0x7b: {  	_ =	shalt  }
0x7c: {  	_ =	shalt  }
0x7d: {  	_ =	shalt  }
0x7e: {  	_ =	shalt  }
0x7f: {  	_ =	shalt  }
0x80: {  	_ =	shalt  }
0x81: {  	_ =	shalt  }
0x82: {  	_ =	shalt  }
0x83: {  	_ =	shalt  }
0x84: {  	_ =	shalt  }
0x85: {  	_ =	shalt  }
0x86: {  	_ =	shalt  }
0x87: {  	_ =	shalt  }
.Lfunc_end0:
.L_simem_size_0:
called_computation.1_lowered:
.L_overlay_start_0:
0x88: {  	s2 =	sld [smem:$0x3FD9]  }
0x89: {  	s3 =	sld [smem:$0x3FFE];
	_ =	sdelay $0x1  }
0x8a: {  	s1 =	srdreg.scid  }
0x8b: {  	s0 =	sand.u32 $0x1, s1  }
0x8c: {  	s17 =	sshll.u32 s0, $0xA;
	s2 =	sadd.s32 s3, s2  }
0x8d: {  	s2 =	sadd.s32 s2, s17  }
0x8e: {  	[smem:$0x3FC0] =	sst s2  }
0x8f: {  	_ = 	snop  }
0x90: {  	s2 =	sld [smem:$0x3FD0];
	(tm) =	ssettm $0x1  }
0x91: {  	s18 =	sld [smem:$0x3FFB];
	_ =	sdelay $0x3  }
0x92: {  	_ =	strace s18  }
0x93: {  	s3 =	sld [smem:$0x3FFC];
	_ =	sdelay $0x3  }
0x94: {  	_ =	strace s3  }
0x95: {  	s3 =	sld [smem:$0x3FFD];
	_ =	sdelay $0x3  }
0x96: {  	_ =	strace s3  }
0x97: {  	_ =	strace $0x8FFFFFFF  }
0x98: {  	s19 =	sld [smem:$0x3FDB];
	_ =	sdelay $0x1  }
0x99: {  	s4 =	simm.s32 $_scs_section_size  }
0x9a: {  	s5 =	simm.s32 $_size__tile_overlayer_lowered;
	s6 =	simm.s32 $_tile_overlayer_lowered  }
0x9b: {  	s22 =	simm.s32 $0x1BFF;
	s21 =	sshll.u32 s6, $0x1;
	s3 =	sadd.s32 s4, s19  }
0x9c: {  	s7 =	simm.s32 $0x0;
	s20 =	sshll.u32 s5, $0x1;
	s5 =	sadd.s32 s21, s3  }
0x9d: {  	[timem:s7], [sflag:s22] =	dma.local [hbm:s5], s20  }
0x9e: {  	_ =	swait.ge [sflag:s22], s20  }
0x9f: {  	s4 =	ssub.s32 $0x0, s20;
	[sflag:s22] =	ssyncset.done $0x0  }
0xa0: {  	[sflag:s22] =	ssyncadd.s32 s4;
	_ =	sdelay $0x1  }
0xa1: {  	s23 =	simm.s32 $0x1B8B  }
0xa2: {  	_ =	swait.ge [sflag:s23], $0x1  }
0xa3: {  	[sflag:s23] =	ssyncset.done $0x0  }
0xa4: {  	s25 =	simm.s32 $0x1B8E;
	s24 =	sld [smem:$0x3FFE];
	[sflag:s23] =	ssyncadd.s32 $0xFFFFFFFF  }
0xa5: {  	s26 =	simm.s32 $execute0_lowered;
	[smem:$0x3FD2] =	sst s25  }
0xa6: {  	s5 =	sshll.u32 s26, $0x1;
	_ =	strace $0x80000049;
	[dreg:$0x1] =	wrdreg $0xFFFFFFFF  }
0xa7: {  	s28 =	simm.s32 $_size_execute0_lowered;
	s3 =	sadd.s32 s3, s5;
	[dreg:$0x0] =	wrdreg $0x0  }
0xa8: {  	s5 =	sshll.u32 s28, $0x1;
	[dreg:$0x2] =	wrdreg s3  }
0xa9: {  	[dreg:$0x3] =	wrdreg s5  }
0xaa: {  	[dreg:$0x4] =	wrdreg $0xC0  }
0xab: {  	_ =	task [dreg:s7], $0x5FFFF  }
0xac: {  	[dreg:$0x1] =	wrdreg $0xFFFFFFFF  }
0xad: {  	[dreg:$0x0] =	wrdreg $0x60  }
0xae: {  	[dreg:$0x2] =	wrdreg s2  }
0xaf: {  	[dreg:$0x3] =	wrdreg s24  }
0xb0: {  	[dreg:$0x4] =	wrdreg $0x90000  }
0xb1: {  	[dreg:$0x5] =	wrdreg $0x9  }
0xb2: {  	_ =	task.clear_ibuf [dreg:s7], $0x6FFFF;
	_ =	strace $0x90000049  }
0xb3: {  	s29 =	simm.s32 $0x9;
	_ =	strace $0x8000004B  }
0xb4: {  	_ =	swait.ge [sflag:s29], $0x1  }
0xb5: {  	[sflag:s29] =	ssyncadd.s32 $0xFFFFFFFF  }
0xb6: {  	_ =	strace $0x9000004B  }
0xb7: {  	_ =	sfence  }
0xb8: {  	s30 =	sld [smem:$0x0];
	_ =	sdelay $0x2  }
0xb9: {  	s31 =	sshll.u32 s1, $0xD;
	s1 =	sshrl.u32 s1, $0x2  }
0xba: {  	s3 =	sand.u32 $0x4000, s31;
	s1 =	sadd.s32 s1, s30  }
0xbb: {  	s0 =	sor.u32 s3, s0;
	s1 =	sshll.u32 s1, $0x11  }
0xbc: {  	s0 =	sor.u32 s1, s0  }
0xbd: {  	s0 =	sadd.s32 $0x8F2B, s0  }
0xbe: {  	[sflag:s0] =	ssyncadd.remote.s32 $0x1  }
0xbf: {  	_ =	sfence.sel $0xFFFF  }
0xc0: {  	[dreg:$0x0] =	wrdreg $0xFFFFFFFF;
	(pc) =	sbr.abs _section_cstart, $3  }
0xc1: {  	[dreg:$0x1] =	wrdreg $0xFFFFFFFF  }
0xc2: {  	_ =	task.clear_ibuf [dreg:s7], $0x2FFFF;
	_ =	strace $0x9FFFFFFF  }
0xc3: {  	(tm) =	ssettm $0x7FFFFFFF  }
tec
execute0_lowered:
.L_overlay_start_1:
0x0: {  	(tag) =	ssettag $0x1  }
0x1: {  	s0 =	srdreg.scid;
	s1 =	rddreg [dreg:$0x0]  }
0x2: {  	s22 =	stileid.u32;
	s6 =	rddreg [dreg:$0x1]  }
0x3: {  	s3 =	rddreg [dreg:$0x2];
	s4 =	simm.s32 $0x0;
	s28 =	simm.s32 $0x5000  }
0x4: {  	s29 =	simm.s32 $0x1;
	s5 =	sand.u32 $0x1, s0;
	s8 =	smul.u32 $0x28000, s22  }
0x5: {  	[smem:$0x7FF] =	sst s4;
	s15 =	smul.u32 $0xA000, s22;
	s17 =	sadd.s32 $0x3CC00, s6  }
0x6: {  	s2 =	sshll.u32 s5, $0x4;
	s16 =	smul.u32 $0xA0000, s5;
	s5 =	ssub.s32 $0x2, s5  }
0x7: {  	_ =	strace $0x8000004A;
	s2 =	sor.u32 s22, s2;
	s23 =	sshrl.u32 s5, $0x1  }
0x8: {  	s24 =	sshrl.u32 s8, $0x2;
	s18 =	sadd.s32 $0x2000, s15;
	s21 =	sadd.s32 s15, s3  }
0x9: {  	s19 =	sadd.s32 $0x4000, s15;
	s20 =	sadd.s32 $0x6000, s15;
	s7 =	smul.u32 $0x500, s2  }
0xa: {  	s9 =	ssub.s32 s5, s23;
	s25 =	sadd.s32 s16, s15;
	s5 =	sadd.s32 s24, s3  }
0xb: {  	s14 =	sadd.s32 s16, s18;
	s22 =	sadd.s32 s18, s3;
	s26 =	sadd.s32 s16, s19  }
0xc: {  	s23 =	sadd.s32 $0x8000, s15;
	s30 =	sadd.s32 s16, s20;
	s24 =	sadd.s32 s19, s3  }
0xd: {  	s19 =	simm.s32 $0x2;
	s21 =	sshrl.u32 s21, $0x3;
	s8 =	sshrl.u32 s25, $0x3  }
0xe: {  	s9 =	smax.u32 s9, $0x1;
	s10 =	sadd.s32 $0x2000, s5;
	s11 =	sadd.s32 $0x4000, s5  }
0xf: {  	s12 =	sadd.s32 $0x6000, s5;
	s13 =	sadd.s32 $0x8000, s5;
	s14 =	sshrl.u32 s14, $0x3  }
0x10: {  	s18 =	sshrl.u32 s26, $0x3;
	s16 =	sadd.s32 s16, s23;
	s25 =	sadd.s32 s20, s3  }
0x11: {  	s26 =	sadd.s32 s23, s3;
	s20 =	simm.s32 $0x2800;
	s22 =	sshrl.u32 s22, $0x3  }
0x12: {  	s23 =	sshrl.u32 s24, $0x3;
	s7 =	sadd.s32 s7, s6;
	s8 =	sadd.s32 s17, s8  }
0x13: {  	s14 =	sadd.s32 s17, s14;
	s15 =	sadd.s32 s17, s18;
	s18 =	sshrl.u32 s30, $0x3  }
0x14: {  	s31 =	sshrl.u32 s16, $0x3;
	s24 =	sshrl.u32 s25, $0x3;
	s25 =	sshrl.u32 s26, $0x3  }
0x15: {  	s26 =	simm.s32 $0x80;
	s6 =	sadd.s32 $0x1A00, s7;
	s7 =	sadd.s32 $0x32C00, s7  }
0x16: {  	v0 =	vimm.f32 $0.0e+00;
	s16 =	sadd.s32 s17, s18;
	s17 =	sadd.s32 s17, s31;
	s18 =	simm.s32 $0x7000  }
.LBB2_1:
0x17: {  	s31 =	simm.s32 $0x100;
	s30 =	simm.s32 $0x0  }
.LBB2_2:
0x18: {  	p0 =	sne.s32 s31, $0x7F00;
	[tilespmem:s30+$0x7030] =	vst v0;
	s2 =	smov.u32 s31;
	s31 =	sadd.s32 $0x100, s31  }
.Ltmp0:
0x19: {  	[tilespmem:s30+$0x7020] =	vst v0;
	(pc) =	sbr.rel @p0 .LBB2_2-.Ltmp0, $3  }
0x1a: {  	[tilespmem:s30+$0x7000] =	vst v0  }
0x1b: {  	[tilespmem:s30+$0x7010] =	vst v0;
	_ =	sdelay $0x1  }
0x1c: {  	s30 =	sshra.s32 s2, $0x2  }
0x1d: {  	[tilespmem:s30+$0x7030] =	vst v0  }
0x1e: {  	[tilespmem:s30+$0x7020] =	vst v0  }
0x1f: {  	[tilespmem:s30+$0x7000] =	vst v0  }
0x20: {  	[tilespmem:s30+$0x7010] =	vst v0  }
0x21: {  	[spmem:s5] =	stream.linear.scatter [tilespmem:s18], [sflag:$0x2], $0x2000, $0x38;
	[tilespmem:$0x13000] =	vst v63  }
0x22: {  	_ =	swait.ge [sflag:s19], $0x2000  }
0x23: {  	[sflag:s19] =	ssyncset.done $0x0  }
0x24: {  	[sflag:s19] =	ssyncadd.s32 $0xFFFFE000  }
0x25: {  	[spmem:s10] =	stream.linear.scatter [tilespmem:s18], [sflag:$0x2], $0x2000, $0x38;
	[tilespmem:$0x13000] =	vst v63  }
0x26: {  	_ =	swait.ge [sflag:s19], $0x2000  }
0x27: {  	[sflag:s19] =	ssyncset.done $0x0  }
0x28: {  	[sflag:s19] =	ssyncadd.s32 $0xFFFFE000  }
0x29: {  	[spmem:s11] =	stream.linear.scatter [tilespmem:s18], [sflag:$0x2], $0x2000, $0x38;
	[tilespmem:$0x13000] =	vst v63  }
0x2a: {  	_ =	swait.ge [sflag:s19], $0x2000  }
0x2b: {  	[sflag:s19] =	ssyncset.done $0x0  }
0x2c: {  	[sflag:s19] =	ssyncadd.s32 $0xFFFFE000  }
0x2d: {  	[spmem:s12] =	stream.linear.scatter [tilespmem:s18], [sflag:$0x2], $0x2000, $0x38;
	[tilespmem:$0x13000] =	vst v63  }
0x2e: {  	_ =	swait.ge [sflag:s19], $0x2000  }
0x2f: {  	[sflag:s19] =	ssyncset.done $0x0  }
0x30: {  	[sflag:s19] =	ssyncadd.s32 $0xFFFFE000  }
0x31: {  	[spmem:s13] =	stream.linear.scatter [tilespmem:s18], [sflag:$0x2], $0x2000, $0x38;
	[tilespmem:$0x13000] =	vst v63  }
0x32: {  	_ =	swait.ge [sflag:s19], $0x2000  }
0x33: {  	[sflag:s19] =	ssyncset.done $0x0  }
0x34: {  	[sflag:s19] =	ssyncadd.s32 $0xFFFFE000  }
0x35: {  	s2 =	simm.s32 $0x0;
	[bflag:$0x0] =	sbarrier.arrive $0xFFFF  }
0x36: {  	[tilespmem:s2], [sflag:$0x2] =	stream.linear.gather [hbm4b:s6+s2], $0x2800, $0x38;
	[tilespmem:$0x13000] =	vst v63  }
0x37: {  	_ =	swait.ge [sflag:s19], $0x2800  }
0x38: {  	[sflag:s19] =	ssyncset.done $0x0  }
0x39: {  	[sflag:s19] =	ssyncadd.s32 $0xFFFFD800  }
0x3a: {  	[tilespmem:s20], [sflag:$0x2] =	stream.linear.gather [hbm4b:s7+s2], $0x2800, $0x38;
	[tilespmem:$0x13000] =	vst v63  }
0x3b: {  	_ =	swait.ge [sflag:s19], $0x2800  }
0x3c: {  	[sflag:s19] =	ssyncset.done $0x0  }
0x3d: {  	s0 =	simm.s32 $0x0;
	[sflag:s19] =	ssyncadd.s32 $0xFFFFD800  }
0x3e: {  	[tilespmem:s28], [sflag:$0x1] =	stream.indirect.gather [hbm4b:s1+s26], $0x40, s0, s26, $0xb8;
	[tilespmem:$0x13000] =	vst v63  }
0x3f: {  	_ =	swait.ge [sflag:s29], $0x2000  }
0x40: {  	[sflag:s29] =	ssyncset.done $0x0  }
0x41: {  	s0 =	simm.s32 $0x2800;
	[sflag:s29] =	ssyncadd.s32 $0xFFFFE000  }
0x42: {  	[spmem:s3] =	stream.indirect.scatter.add.f32 [tilespmem:s28], [sflag:$0x2], $0x40, s0, s26, $0xb8;
	[tilespmem:$0x13000] =	vst v63  }
0x43: {  	_ =	swait.ge [sflag:s19], $0x2000  }
0x44: {  	s30 =	simm.s32 $0x200;
	s31 =	simm.s32 $0x400;
	[sflag:s19] =	ssyncset.done $0x0  }
.LBB2_4:
0x45: {  	s2 =	sshra.s32 s30, $0x2  }
0x46: {  	[sflag:s19] =	ssyncadd.s32 $0xFFFFE000;
	s30 =	smov.u32 s31;
	s0 =	sadd.s32 $0x200, s31  }
0x47: {  	[tilespmem:s28], [sflag:$0x1] =	stream.indirect.gather [hbm4b:s1+s26], $0x40, s2, s26, $0xb8;
	[tilespmem:$0x13000] =	vst v63  }
0x48: {  	p0 =	sne.s32 s31, $0x9E00;
	_ =	swait.ge [sflag:s29], $0x2000  }
.Ltmp1:
0x49: {  	[sflag:s29] =	ssyncset.done $0x0;
	(pc) =	sbr.rel @p0 .LBB2_4-.Ltmp1, $4  }
0x4a: {  	s2 =	sadd.s32 $0x2800, s2;
	[sflag:s29] =	ssyncadd.s32 $0xFFFFE000  }
0x4b: {  	[spmem:s3] =	stream.indirect.scatter.add.f32 [tilespmem:s28], [sflag:$0x2], $0x40, s2, s26, $0xb8;
	[tilespmem:$0x13000] =	vst v63  }
0x4c: {  	_ =	swait.ge [sflag:s19], $0x2000  }
0x4d: {  	s31 =	smov.u32 s0;
	[sflag:s19] =	ssyncset.done $0x0  }
0x4e: {  	s0 =	sshra.s32 s30, $0x2;
	[sflag:s19] =	ssyncadd.s32 $0xFFFFE000  }
0x4f: {  	[tilespmem:s28], [sflag:$0x1] =	stream.indirect.gather [hbm4b:s1+s26], $0x40, s0, s26, $0xb8;
	[tilespmem:$0x13000] =	vst v63  }
0x50: {  	_ =	swait.ge [sflag:s29], $0x2000  }
0x51: {  	[sflag:s29] =	ssyncset.done $0x0  }
0x52: {  	s0 =	sadd.s32 $0x2800, s0;
	[sflag:s29] =	ssyncadd.s32 $0xFFFFE000  }
0x53: {  	[spmem:s3] =	stream.indirect.scatter.add.f32 [tilespmem:s28], [sflag:$0x2], $0x40, s0, s26, $0xb8;
	[tilespmem:$0x13000] =	vst v63  }
0x54: {  	_ =	swait.ge [sflag:s19], $0x2000  }
0x55: {  	s31 =	stileid.u32;
	[sflag:s19] =	ssyncset.done $0x0  }
0x56: {  	s0 =	sshll.u32 s31, $0x6;
	[sflag:s19] =	ssyncadd.s32 $0xFFFFE000  }
0x57: {  	s0 =	sor.u32 $0x1C02, s0;
	[bflag:$0x0] =	sbarrier.arrive $0xFFFF  }
0x58: {  	[hbm:s8], [sflag:s0] =	dma.local [spmem:s21], $0x400  }
0x59: {  	_ =	swait.ge [sflag:s19], $0x400  }
0x5a: {  	[sflag:s19] =	ssyncset.done $0x0  }
0x5b: {  	[sflag:s19] =	ssyncadd.s32 $0xFFFFFC00  }
0x5c: {  	[hbm:s14], [sflag:s0] =	dma.local [spmem:s22], $0x400  }
0x5d: {  	_ =	swait.ge [sflag:s19], $0x400  }
0x5e: {  	[sflag:s19] =	ssyncset.done $0x0  }
0x5f: {  	[sflag:s19] =	ssyncadd.s32 $0xFFFFFC00  }
0x60: {  	[hbm:s15], [sflag:s0] =	dma.local [spmem:s23], $0x400  }
0x61: {  	_ =	swait.ge [sflag:s19], $0x400  }
0x62: {  	[sflag:s19] =	ssyncset.done $0x0  }
0x63: {  	[sflag:s19] =	ssyncadd.s32 $0xFFFFFC00  }
0x64: {  	[hbm:s16], [sflag:s0] =	dma.local [spmem:s24], $0x400  }
0x65: {  	s4 =	sadd.s32 $0x1, s4;
	_ =	swait.ge [sflag:s19], $0x400  }
0x66: {  	p0 =	sne.s32 s4, s9;
	[sflag:s19] =	ssyncset.done $0x0  }
.Ltmp2:
0x67: {  	[sflag:s19] =	ssyncadd.s32 $0xFFFFFC00;
	(pc) =	sbr.rel @p0 .LBB2_1-.Ltmp2, $4  }
0x68: {  	[hbm:s17], [sflag:s0] =	dma.local [spmem:s25], $0x400  }
0x69: {  	_ =	swait.ge [sflag:s19], $0x400  }
0x6a: {  	[sflag:s19] =	ssyncset.done $0x0  }
0x6b: {  	[sflag:s19] =	ssyncadd.s32 $0xFFFFFC00  }
0x6c: {  	_ =	sfence.sel $0x180000  }
0x6d: {  	[bflag:$0x0] =	sbarrier.arrive $0xFFFF  }
0x6e: {  	_ =	strace $0x9000004A  }
0x6f: {  	s0 =	stileid.u32;
	[bflag:$0x2] =	sbarrier.arrive $0xFFFF  }
0x70: {  	p0 =	sne.s32 s0, $0x0;
	s0 =	rddreg [dreg:$0x3]  }
0x71: {  	s0 =	sadd.s32 @!p0 $0x100000, s0  }
0x72: {  	[sflag:s0] =	ssyncadd.tile.s32 @!p0 $0x1;
	_ =	shalt  }
.Lfunc_end2:
_tile_overlayer_lowered:
.L_overlay_start_2:
0x73: {  	(tag) =	ssettag $0x2  }
0x74: {  	s0 =	rddreg [dreg:$0x0];
	s2 =	stileid.u32  }
0x75: {  	s1 =	rddreg [dreg:$0x1];
	p0 =	sne.s32 s2, $0x0  }
0x76: {  	s3 =	rddreg [dreg:$0x2];
	[bflag:$0x3] =	sbarrier.arrive $0xFFFF;
	s2 =	simm.s32 @!p0 $0x1C02  }
0x77: {  	[timem:s3], [sflag:s2] =	dma.local @!p0 [hbm:s0], s1  }
0x78: {  	s0 =	simm.s32 @!p0 $0x2  }
0x79: {  	_ =	swait.ge @!p0 [sflag:s0], s1  }
0x7a: {  	s1 =	ssub.s32 @!p0 $0x0, s1;
	[sflag:s0] =	ssyncset.done @!p0 $0x0  }
0x7b: {  	[sflag:s0] =	ssyncadd.s32 @!p0 s1  }
0x7c: {  	[bflag:$0x3] =	sbarrier.arrive $0xFFFF  }
0x7d: {  	_ =	shalt  }

</sc_bundles>
